<compile_context>
chip_gen: v7x
topology: tpu7x:2x2x1
jax: 0.10.2.dev20260603
libtpu: 0.0.44.dev20260713+nightly
codegen_flags: <defaults>
</compile_context>

<pallas_src>
import functools

import jax
import jax.numpy as jnp
from jax import lax
from jax.experimental import pallas as pl
from jax.experimental.pallas import tpu as pltpu
from jax.experimental.pallas import tpu_sc as plsc

BATCH = 16384
D = 128
NC = 2
NS = 16
NW = NC * NS
BPW = BATCH // NW
CH = 128
NCH = BPW // CH
NCHUNKS = 2 * NCH
NBUF = 7

_mesh = plsc.VectorSubcoreMesh(core_axis_name="c", subcore_axis_name="s")


@functools.partial(
    pl.kernel,
    mesh=_mesh,
    out_type=(
        jax.ShapeDtypeStruct((BATCH, D), jnp.float32),
        jax.ShapeDtypeStruct((BATCH, D), jnp.float32),
    ),
    scratch_types=[
        pltpu.VMEM((NCH, CH), jnp.int32),
        pltpu.VMEM((NCH, CH), jnp.int32),
        pltpu.VMEM((NBUF, CH, D), jnp.float32),
        pltpu.SemaphoreType.DMA((2,)),
        pltpu.SemaphoreType.DMA((NCHUNKS,)),
        pltpu.SemaphoreType.DMA((NCHUNKS,)),
    ],
)
def _sc_gather(uids, iids, utab, itab, uout, iout, uidx_v, iidx_v,
               bufs, isem, gsem, wsem):
    wid = lax.axis_index("s") * NC + lax.axis_index("c")
    base = wid * BPW

    ldu = pltpu.async_copy(uids.at[wid], uidx_v, isem.at[0])
    ldi = pltpu.async_copy(iids.at[wid], iidx_v, isem.at[1])
    ldu.wait()
    ldi.wait()

    def chunk(c):
        j = c // 2
        if c % 2 == 0:
            return utab, uidx_v.at[j], uout, base + j * CH
        return itab, iidx_v.at[j], iout, base + j * CH

    def fire(c):
        tab, idx, _, _ = chunk(c)
        return pltpu.async_copy(tab.at[idx], bufs.at[c % NBUF], gsem.at[c])

    DEPTH = NBUF
    gathers = [fire(c) for c in range(DEPTH)]
    writebacks = []
    for c in range(NCHUNKS):
        _, _, out, off = chunk(c)
        gathers[c].wait()
        writebacks.append(pltpu.async_copy(bufs.at[c % NBUF],
                                           out.at[pl.ds(off, CH)], wsem.at[c]))
        nxt = c + DEPTH
        if nxt < NCHUNKS:
            if nxt >= NBUF:
                writebacks[nxt - NBUF].wait()
            gathers.append(fire(nxt))

    for c in range(NCHUNKS - NBUF, NCHUNKS):
        writebacks[c].wait()


def kernel(user_ids, item_ids, user_table, item_table):
    uids = user_ids.astype(jnp.int32).reshape(NW, NCH, CH)
    iids = item_ids.astype(jnp.int32).reshape(NW, NCH, CH)
    return _sc_gather(uids, iids, user_table, item_table)

# --- scband reference (transcript-rebuilt; emitter-appended) ---
"""Pipeline reference for scband-hetero-graph-conv-72224170049980 (READ-ONLY COPY).

The authoritative reference and input builder live on the scoring server;
editing this copy changes nothing except your own understanding.
"""

import jax, jax.numpy as jnp
import numpy as np

NUM_USERS = 1000000
NUM_ITEMS = 100000
EMBED_DIM = 128
BATCH = 16384


def setup_inputs(seed: int = 0) -> dict:
    key = jax.random.key(seed)
    k1, k2, k3, k4 = jax.random.split(key, 4)
    user_ids = jax.random.randint(k1, (BATCH,), 0, NUM_USERS, dtype=jnp.int64 if jax.config.jax_enable_x64 else jnp.int32)
    item_ids = jax.random.randint(k2, (BATCH,), 0, NUM_ITEMS, dtype=jnp.int64 if jax.config.jax_enable_x64 else jnp.int32)
    user_table = jax.random.normal(k3, (NUM_USERS, EMBED_DIM), dtype=jnp.float32) * 0.02
    item_table = jax.random.normal(k4, (NUM_ITEMS, EMBED_DIM), dtype=jnp.float32) * 0.02
    return {"user_ids": user_ids, "item_ids": item_ids, "user_table": user_table, "item_table": item_table}


def reference(user_ids, item_ids, user_table, item_table):
    # HeteroGraphConv.forward with graph=None, features=None:
    # user_emb = self.user_embeddings(user_ids); item_emb = self.item_embeddings(item_ids)
    user_emb = jnp.take(user_table, user_ids, axis=0)
    item_emb = jnp.take(item_table, item_ids, axis=0)
    return (user_emb, item_emb)

if __name__ == "__main__":
    import jax
    _d = setup_inputs()
    print(jax.jit(kernel)(*tuple(_d.values())))

</pallas_src>

<mosaic_0001>
#map = affine_map<(d0, d1) -> (0, 0, 0)>
#map1 = affine_map<(d0, d1) -> (0, 0)>
module attributes {stable_mosaic.version = 14 : i64} {
  func.func @_sc_gather(%arg0: i32, %arg1: i32, %arg2: memref<32x4x128xi32, #tpu.memory_space<hbm>>, %arg3: memref<32x4x128xi32, #tpu.memory_space<hbm>>, %arg4: memref<1000000x128xf32, #tpu.memory_space<hbm>>, %arg5: memref<100000x128xf32, #tpu.memory_space<hbm>>, %arg6: memref<16384x128xf32, #tpu.memory_space<hbm>>, %arg7: memref<16384x128xf32, #tpu.memory_space<hbm>>, %arg8: memref<4x128xi32, #tpu.memory_space<vmem>>, %arg9: memref<4x128xi32, #tpu.memory_space<vmem>>, %arg10: memref<7x128x128xf32, #tpu.memory_space<vmem>>, %arg11: memref<2x!tpu.dma_semaphore, #tpu.memory_space<semaphore_mem>>, %arg12: memref<8x!tpu.dma_semaphore, #tpu.memory_space<semaphore_mem>>, %arg13: memref<8x!tpu.dma_semaphore, #tpu.memory_space<semaphore_mem>>) attributes {dimension_semantics = [#tpu.dimension_semantics<core_parallel>, #tpu.dimension_semantics<subcore_parallel>], iteration_bounds = array<i64: 2, 16>, scalar_prefetch = 0 : i64, scratch_operands = 6 : i64, tpu.core_type = #tpu.core_type<sc_vector_subcore>, window_params = [{transform_indices = #map}, {transform_indices = #map}, {transform_indices = #map1}, {transform_indices = #map1}, {transform_indices = #map1}, {transform_indices = #map1}]} {
    %mul3A = arith.constant 2 : i32
    %mul3A_0 = arith.muli %arg1, %mul3A : i32
    %add3A = arith.addi %mul3A_0, %arg0 : i32
    %mul3A_1 = arith.constant 512 : i32
    %mul3A_2 = arith.muli %add3A, %mul3A_1 : i32
    %dma_start3A = arith.constant 0 : i32
    %dma_start3A_3 = arith.constant 0 : i32
    %dma_start3A_4 = arith.constant 0 : i32
    %dma_start3A_5 = tpu.memref_slice %arg2[%add3A, %dma_start3A_3, %dma_start3A_4] : memref<32x4x128xi32, #tpu.memory_space<hbm>> -> memref<1x4x128xi32, #tpu.memory_space<hbm>>
    %dma_start3A_6 = tpu.memref_squeeze %dma_start3A_5 : memref<1x4x128xi32, #tpu.memory_space<hbm>> -> memref<4x128xi32, #tpu.memory_space<hbm>>
    %dma_start3A_7 = tpu.memref_slice %arg11[%dma_start3A] : memref<2x!tpu.dma_semaphore, #tpu.memory_space<semaphore_mem>> -> memref<1x!tpu.dma_semaphore, #tpu.memory_space<semaphore_mem>>
    %dma_start3A_8 = tpu.memref_squeeze %dma_start3A_7 : memref<1x!tpu.dma_semaphore, #tpu.memory_space<semaphore_mem>> -> memref<!tpu.dma_semaphore, #tpu.memory_space<semaphore_mem>>
    %dma_start3A_9 = arith.constant 0 : i32
    %dma_start3A_10 = arith.constant 0 : i32
    %dma_start3A_11 = tpu.memref_slice %arg2[%add3A, %dma_start3A_9, %dma_start3A_10] : memref<32x4x128xi32, #tpu.memory_space<hbm>> -> memref<1x4x128xi32, #tpu.memory_space<hbm>>
    %dma_start3A_12 = tpu.memref_squeeze %dma_start3A_11 : memref<1x4x128xi32, #tpu.memory_space<hbm>> -> memref<4x128xi32, #tpu.memory_space<hbm>>
    tpu.enqueue_dma source(%dma_start3A_12 : memref<4x128xi32, #tpu.memory_space<hbm>>) target(%arg8 : memref<4x128xi32, #tpu.memory_space<vmem>>) target_semaphore(%dma_start3A_8 : memref<!tpu.dma_semaphore, #tpu.memory_space<semaphore_mem>>)
    %dma_start3A_13 = arith.constant 1 : i32
    %dma_start3A_14 = arith.constant 0 : i32
    %dma_start3A_15 = arith.constant 0 : i32
    %dma_start3A_16 = tpu.memref_slice %arg3[%add3A, %dma_start3A_14, %dma_start3A_15] : memref<32x4x128xi32, #tpu.memory_space<hbm>> -> memref<1x4x128xi32, #tpu.memory_space<hbm>>
    %dma_start3A_17 = tpu.memref_squeeze %dma_start3A_16 : memref<1x4x128xi32, #tpu.memory_space<hbm>> -> memref<4x128xi32, #tpu.memory_space<hbm>>
    %dma_start3A_18 = tpu.memref_slice %arg11[%dma_start3A_13] : memref<2x!tpu.dma_semaphore, #tpu.memory_space<semaphore_mem>> -> memref<1x!tpu.dma_semaphore, #tpu.memory_space<semaphore_mem>>
    %dma_start3A_19 = tpu.memref_squeeze %dma_start3A_18 : memref<1x!tpu.dma_semaphore, #tpu.memory_space<semaphore_mem>> -> memref<!tpu.dma_semaphore, #tpu.memory_space<semaphore_mem>>
    %dma_start3A_20 = arith.constant 0 : i32
    %dma_start3A_21 = arith.constant 0 : i32
    %dma_start3A_22 = tpu.memref_slice %arg3[%add3A, %dma_start3A_20, %dma_start3A_21] : memref<32x4x128xi32, #tpu.memory_space<hbm>> -> memref<1x4x128xi32, #tpu.memory_space<hbm>>
    %dma_start3A_23 = tpu.memref_squeeze %dma_start3A_22 : memref<1x4x128xi32, #tpu.memory_space<hbm>> -> memref<4x128xi32, #tpu.memory_space<hbm>>
    tpu.enqueue_dma source(%dma_start3A_23 : memref<4x128xi32, #tpu.memory_space<hbm>>) target(%arg9 : memref<4x128xi32, #tpu.memory_space<vmem>>) target_semaphore(%dma_start3A_19 : memref<!tpu.dma_semaphore, #tpu.memory_space<semaphore_mem>>)
    %dma_wait3A = arith.constant 0 : i32
    %dma_wait3A_24 = arith.constant 0 : i32
    %dma_wait3A_25 = arith.constant 0 : i32
    %dma_wait3A_26 = tpu.memref_slice %arg2[%add3A, %dma_wait3A_24, %dma_wait3A_25] : memref<32x4x128xi32, #tpu.memory_space<hbm>> -> memref<1x4x128xi32, #tpu.memory_space<hbm>>
    %dma_wait3A_27 = tpu.memref_squeeze %dma_wait3A_26 : memref<1x4x128xi32, #tpu.memory_space<hbm>> -> memref<4x128xi32, #tpu.memory_space<hbm>>
    %dma_wait3A_28 = tpu.memref_slice %arg11[%dma_wait3A] : memref<2x!tpu.dma_semaphore, #tpu.memory_space<semaphore_mem>> -> memref<1x!tpu.dma_semaphore, #tpu.memory_space<semaphore_mem>>
    %dma_wait3A_29 = tpu.memref_squeeze %dma_wait3A_28 : memref<1x!tpu.dma_semaphore, #tpu.memory_space<semaphore_mem>> -> memref<!tpu.dma_semaphore, #tpu.memory_space<semaphore_mem>>
    %dma_wait3A_30 = arith.constant 0 : i32
    %dma_wait3A_31 = arith.constant 0 : i32
    %dma_wait3A_32 = tpu.memref_slice %arg2[%add3A, %dma_wait3A_30, %dma_wait3A_31] : memref<32x4x128xi32, #tpu.memory_space<hbm>> -> memref<1x4x128xi32, #tpu.memory_space<hbm>>
    %dma_wait3A_33 = tpu.memref_squeeze %dma_wait3A_32 : memref<1x4x128xi32, #tpu.memory_space<hbm>> -> memref<4x128xi32, #tpu.memory_space<hbm>>
    tpu.wait_dma2 semaphore(%dma_wait3A_29 : memref<!tpu.dma_semaphore, #tpu.memory_space<semaphore_mem>>) src(%dma_wait3A_33 : memref<4x128xi32, #tpu.memory_space<hbm>>) dst(%arg8 : memref<4x128xi32, #tpu.memory_space<vmem>>)
    %dma_wait3A_34 = arith.constant 1 : i32
    %dma_wait3A_35 = arith.constant 0 : i32
    %dma_wait3A_36 = arith.constant 0 : i32
    %dma_wait3A_37 = tpu.memref_slice %arg3[%add3A, %dma_wait3A_35, %dma_wait3A_36] : memref<32x4x128xi32, #tpu.memory_space<hbm>> -> memref<1x4x128xi32, #tpu.memory_space<hbm>>
    %dma_wait3A_38 = tpu.memref_squeeze %dma_wait3A_37 : memref<1x4x128xi32, #tpu.memory_space<hbm>> -> memref<4x128xi32, #tpu.memory_space<hbm>>
    %dma_wait3A_39 = tpu.memref_slice %arg11[%dma_wait3A_34] : memref<2x!tpu.dma_semaphore, #tpu.memory_space<semaphore_mem>> -> memref<1x!tpu.dma_semaphore, #tpu.memory_space<semaphore_mem>>
    %dma_wait3A_40 = tpu.memref_squeeze %dma_wait3A_39 : memref<1x!tpu.dma_semaphore, #tpu.memory_space<semaphore_mem>> -> memref<!tpu.dma_semaphore, #tpu.memory_space<semaphore_mem>>
    %dma_wait3A_41 = arith.constant 0 : i32
    %dma_wait3A_42 = arith.constant 0 : i32
    %dma_wait3A_43 = tpu.memref_slice %arg3[%add3A, %dma_wait3A_41, %dma_wait3A_42] : memref<32x4x128xi32, #tpu.memory_space<hbm>> -> memref<1x4x128xi32, #tpu.memory_space<hbm>>
    %dma_wait3A_44 = tpu.memref_squeeze %dma_wait3A_43 : memref<1x4x128xi32, #tpu.memory_space<hbm>> -> memref<4x128xi32, #tpu.memory_space<hbm>>
    tpu.wait_dma2 semaphore(%dma_wait3A_40 : memref<!tpu.dma_semaphore, #tpu.memory_space<semaphore_mem>>) src(%dma_wait3A_44 : memref<4x128xi32, #tpu.memory_space<hbm>>) dst(%arg9 : memref<4x128xi32, #tpu.memory_space<vmem>>)
    %add3A_45 = arith.constant 0 : i32
    %add3A_46 = arith.addi %mul3A_2, %add3A_45 : i32
    %dma_start3A_47 = arith.constant 0 : i32
    %dma_start3A_48 = arith.constant 0 : i32
    %dma_start3A_49 = arith.constant 0 : i32
    %dma_start3A_50 = arith.constant 0 : i32
    %dma_start3A_51 = arith.constant 0 : i32
    %dma_start3A_52 = tpu.memref_slice %arg10[%dma_start3A_48, %dma_start3A_50, %dma_start3A_51] : memref<7x128x128xf32, #tpu.memory_space<vmem>> -> memref<1x128x128xf32, #tpu.memory_space<vmem>>
    %dma_start3A_53 = tpu.memref_squeeze %dma_start3A_52 : memref<1x128x128xf32, #tpu.memory_space<vmem>> -> memref<128x128xf32, #tpu.memory_space<vmem>>
    %dma_start3A_54 = arith.constant 0 : i32
    %dma_start3A_55 = tpu.memref_slice %arg8[%dma_start3A_47, %dma_start3A_54] : memref<4x128xi32, #tpu.memory_space<vmem>> -> memref<1x128xi32, #tpu.memory_space<vmem>>
    %dma_start3A_56 = tpu.memref_squeeze %dma_start3A_55 : memref<1x128xi32, #tpu.memory_space<vmem>> -> memref<128xi32, #tpu.memory_space<vmem>>
    %dma_start3A_57 = arith.constant 0 : i32
    %dma_start3A_58 = arith.constant 0 : i32
    %dma_start3A_59 = tpu.memref_slice %arg4[%dma_start3A_57, %dma_start3A_58] : memref<1000000x128xf32, #tpu.memory_space<hbm>> -> memref<1000000x128xf32, #tpu.memory_space<hbm>>
    %dma_start3A_60 = tpu.memref_slice %arg12[%dma_start3A_49] : memref<8x!tpu.dma_semaphore, #tpu.memory_space<semaphore_mem>> -> memref<1x!tpu.dma_semaphore, #tpu.memory_space<semaphore_mem>>
    %dma_start3A_61 = tpu.memref_squeeze %dma_start3A_60 : memref<1x!tpu.dma_semaphore, #tpu.memory_space<semaphore_mem>> -> memref<!tpu.dma_semaphore, #tpu.memory_space<semaphore_mem>>
    tpu.enqueue_indirect_dma source(%dma_start3A_59 : memref<1000000x128xf32, #tpu.memory_space<hbm>>) target(%dma_start3A_53 : memref<128x128xf32, #tpu.memory_space<vmem>>) offsets(%dma_start3A_56 : memref<128xi32, #tpu.memory_space<vmem>>) semaphore(%dma_start3A_61 : memref<!tpu.dma_semaphore, #tpu.memory_space<semaphore_mem>>)
    %add3A_62 = arith.constant 0 : i32
    %add3A_63 = arith.addi %mul3A_2, %add3A_62 : i32
    %dma_start3A_64 = arith.constant 0 : i32
    %dma_start3A_65 = arith.constant 1 : i32
    %dma_start3A_66 = arith.constant 1 : i32
    %dma_start3A_67 = arith.constant 0 : i32
    %dma_start3A_68 = arith.constant 0 : i32
    %dma_start3A_69 = tpu.memref_slice %arg10[%dma_start3A_65, %dma_start3A_67, %dma_start3A_68] : memref<7x128x128xf32, #tpu.memory_space<vmem>> -> memref<1x128x128xf32, #tpu.memory_space<vmem>>
    %dma_start3A_70 = tpu.memref_squeeze %dma_start3A_69 : memref<1x128x128xf32, #tpu.memory_space<vmem>> -> memref<128x128xf32, #tpu.memory_space<vmem>>
    %dma_start3A_71 = arith.constant 0 : i32
    %dma_start3A_72 = tpu.memref_slice %arg9[%dma_start3A_64, %dma_start3A_71] : memref<4x128xi32, #tpu.memory_space<vmem>> -> memref<1x128xi32, #tpu.memory_space<vmem>>
    %dma_start3A_73 = tpu.memref_squeeze %dma_start3A_72 : memref<1x128xi32, #tpu.memory_space<vmem>> -> memref<128xi32, #tpu.memory_space<vmem>>
    %dma_start3A_74 = arith.constant 0 : i32
    %dma_start3A_75 = arith.constant 0 : i32
    %dma_start3A_76 = tpu.memref_slice %arg5[%dma_start3A_74, %dma_start3A_75] : memref<100000x128xf32, #tpu.memory_space<hbm>> -> memref<100000x128xf32, #tpu.memory_space<hbm>>
    %dma_start3A_77 = tpu.memref_slice %arg12[%dma_start3A_66] : memref<8x!tpu.dma_semaphore, #tpu.memory_space<semaphore_mem>> -> memref<1x!tpu.dma_semaphore, #tpu.memory_space<semaphore_mem>>
    %dma_start3A_78 = tpu.memref_squeeze %dma_start3A_77 : memref<1x!tpu.dma_semaphore, #tpu.memory_space<semaphore_mem>> -> memref<!tpu.dma_semaphore, #tpu.memory_space<semaphore_mem>>
    tpu.enqueue_indirect_dma source(%dma_start3A_76 : memref<100000x128xf32, #tpu.memory_space<hbm>>) target(%dma_start3A_70 : memref<128x128xf32, #tpu.memory_space<vmem>>) offsets(%dma_start3A_73 : memref<128xi32, #tpu.memory_space<vmem>>) semaphore(%dma_start3A_78 : memref<!tpu.dma_semaphore, #tpu.memory_space<semaphore_mem>>)
    %add3A_79 = arith.constant 128 : i32
    %add3A_80 = arith.addi %mul3A_2, %add3A_79 : i32
    %dma_start3A_81 = arith.constant 1 : i32
    %dma_start3A_82 = arith.constant 2 : i32
    %dma_start3A_83 = arith.constant 2 : i32
    %dma_start3A_84 = arith.constant 0 : i32
    %dma_start3A_85 = arith.constant 0 : i32
    %dma_start3A_86 = tpu.memref_slice %arg10[%dma_start3A_82, %dma_start3A_84, %dma_start3A_85] : memref<7x128x128xf32, #tpu.memory_space<vmem>> -> memref<1x128x128xf32, #tpu.memory_space<vmem>>
    %dma_start3A_87 = tpu.memref_squeeze %dma_start3A_86 : memref<1x128x128xf32, #tpu.memory_space<vmem>> -> memref<128x128xf32, #tpu.memory_space<vmem>>
    %dma_start3A_88 = arith.constant 0 : i32
    %dma_start3A_89 = tpu.memref_slice %arg8[%dma_start3A_81, %dma_start3A_88] : memref<4x128xi32, #tpu.memory_space<vmem>> -> memref<1x128xi32, #tpu.memory_space<vmem>>
    %dma_start3A_90 = tpu.memref_squeeze %dma_start3A_89 : memref<1x128xi32, #tpu.memory_space<vmem>> -> memref<128xi32, #tpu.memory_space<vmem>>
    %dma_start3A_91 = arith.constant 0 : i32
    %dma_start3A_92 = arith.constant 0 : i32
    %dma_start3A_93 = tpu.memref_slice %arg4[%dma_start3A_91, %dma_start3A_92] : memref<1000000x128xf32, #tpu.memory_space<hbm>> -> memref<1000000x128xf32, #tpu.memory_space<hbm>>
    %dma_start3A_94 = tpu.memref_slice %arg12[%dma_start3A_83] : memref<8x!tpu.dma_semaphore, #tpu.memory_space<semaphore_mem>> -> memref<1x!tpu.dma_semaphore, #tpu.memory_space<semaphore_mem>>
    %dma_start3A_95 = tpu.memref_squeeze %dma_start3A_94 : memref<1x!tpu.dma_semaphore, #tpu.memory_space<semaphore_mem>> -> memref<!tpu.dma_semaphore, #tpu.memory_space<semaphore_mem>>
    tpu.enqueue_indirect_dma source(%dma_start3A_93 : memref<1000000x128xf32, #tpu.memory_space<hbm>>) target(%dma_start3A_87 : memref<128x128xf32, #tpu.memory_space<vmem>>) offsets(%dma_start3A_90 : memref<128xi32, #tpu.memory_space<vmem>>) semaphore(%dma_start3A_95 : memref<!tpu.dma_semaphore, #tpu.memory_space<semaphore_mem>>)
    %add3A_96 = arith.constant 128 : i32
    %add3A_97 = arith.addi %mul3A_2, %add3A_96 : i32
    %dma_start3A_98 = arith.constant 1 : i32
    %dma_start3A_99 = arith.constant 3 : i32
    %dma_start3A_100 = arith.constant 3 : i32
    %dma_start3A_101 = arith.constant 0 : i32
    %dma_start3A_102 = arith.constant 0 : i32
    %dma_start3A_103 = tpu.memref_slice %arg10[%dma_start3A_99, %dma_start3A_101, %dma_start3A_102] : memref<7x128x128xf32, #tpu.memory_space<vmem>> -> memref<1x128x128xf32, #tpu.memory_space<vmem>>
    %dma_start3A_104 = tpu.memref_squeeze %dma_start3A_103 : memref<1x128x128xf32, #tpu.memory_space<vmem>> -> memref<128x128xf32, #tpu.memory_space<vmem>>
    %dma_start3A_105 = arith.constant 0 : i32
    %dma_start3A_106 = tpu.memref_slice %arg9[%dma_start3A_98, %dma_start3A_105] : memref<4x128xi32, #tpu.memory_space<vmem>> -> memref<1x128xi32, #tpu.memory_space<vmem>>
    %dma_start3A_107 = tpu.memref_squeeze %dma_start3A_106 : memref<1x128xi32, #tpu.memory_space<vmem>> -> memref<128xi32, #tpu.memory_space<vmem>>
    %dma_start3A_108 = arith.constant 0 : i32
    %dma_start3A_109 = arith.constant 0 : i32
    %dma_start3A_110 = tpu.memref_slice %arg5[%dma_start3A_108, %dma_start3A_109] : memref<100000x128xf32, #tpu.memory_space<hbm>> -> memref<100000x128xf32, #tpu.memory_space<hbm>>
    %dma_start3A_111 = tpu.memref_slice %arg12[%dma_start3A_100] : memref<8x!tpu.dma_semaphore, #tpu.memory_space<semaphore_mem>> -> memref<1x!tpu.dma_semaphore, #tpu.memory_space<semaphore_mem>>
    %dma_start3A_112 = tpu.memref_squeeze %dma_start3A_111 : memref<1x!tpu.dma_semaphore, #tpu.memory_space<semaphore_mem>> -> memref<!tpu.dma_semaphore, #tpu.memory_space<semaphore_mem>>
    tpu.enqueue_indirect_dma source(%dma_start3A_110 : memref<100000x128xf32, #tpu.memory_space<hbm>>) target(%dma_start3A_104 : memref<128x128xf32, #tpu.memory_space<vmem>>) offsets(%dma_start3A_107 : memref<128xi32, #tpu.memory_space<vmem>>) semaphore(%dma_start3A_112 : memref<!tpu.dma_semaphore, #tpu.memory_space<semaphore_mem>>)
    %add3A_113 = arith.constant 256 : i32
    %add3A_114 = arith.addi %mul3A_2, %add3A_113 : i32
    %dma_start3A_115 = arith.constant 2 : i32
    %dma_start3A_116 = arith.constant 4 : i32
    %dma_start3A_117 = arith.constant 4 : i32
    %dma_start3A_118 = arith.constant 0 : i32
    %dma_start3A_119 = arith.constant 0 : i32
    %dma_start3A_120 = tpu.memref_slice %arg10[%dma_start3A_116, %dma_start3A_118, %dma_start3A_119] : memref<7x128x128xf32, #tpu.memory_space<vmem>> -> memref<1x128x128xf32, #tpu.memory_space<vmem>>
    %dma_start3A_121 = tpu.memref_squeeze %dma_start3A_120 : memref<1x128x128xf32, #tpu.memory_space<vmem>> -> memref<128x128xf32, #tpu.memory_space<vmem>>
    %dma_start3A_122 = arith.constant 0 : i32
    %dma_start3A_123 = tpu.memref_slice %arg8[%dma_start3A_115, %dma_start3A_122] : memref<4x128xi32, #tpu.memory_space<vmem>> -> memref<1x128xi32, #tpu.memory_space<vmem>>
    %dma_start3A_124 = tpu.memref_squeeze %dma_start3A_123 : memref<1x128xi32, #tpu.memory_space<vmem>> -> memref<128xi32, #tpu.memory_space<vmem>>
    %dma_start3A_125 = arith.constant 0 : i32
    %dma_start3A_126 = arith.constant 0 : i32
    %dma_start3A_127 = tpu.memref_slice %arg4[%dma_start3A_125, %dma_start3A_126] : memref<1000000x128xf32, #tpu.memory_space<hbm>> -> memref<1000000x128xf32, #tpu.memory_space<hbm>>
    %dma_start3A_128 = tpu.memref_slice %arg12[%dma_start3A_117] : memref<8x!tpu.dma_semaphore, #tpu.memory_space<semaphore_mem>> -> memref<1x!tpu.dma_semaphore, #tpu.memory_space<semaphore_mem>>
    %dma_start3A_129 = tpu.memref_squeeze %dma_start3A_128 : memref<1x!tpu.dma_semaphore, #tpu.memory_space<semaphore_mem>> -> memref<!tpu.dma_semaphore, #tpu.memory_space<semaphore_mem>>
    tpu.enqueue_indirect_dma source(%dma_start3A_127 : memref<1000000x128xf32, #tpu.memory_space<hbm>>) target(%dma_start3A_121 : memref<128x128xf32, #tpu.memory_space<vmem>>) offsets(%dma_start3A_124 : memref<128xi32, #tpu.memory_space<vmem>>) semaphore(%dma_start3A_129 : memref<!tpu.dma_semaphore, #tpu.memory_space<semaphore_mem>>)
    %add3A_130 = arith.constant 256 : i32
    %add3A_131 = arith.addi %mul3A_2, %add3A_130 : i32
    %dma_start3A_132 = arith.constant 2 : i32
    %dma_start3A_133 = arith.constant 5 : i32
    %dma_start3A_134 = arith.constant 5 : i32
    %dma_start3A_135 = arith.constant 0 : i32
    %dma_start3A_136 = arith.constant 0 : i32
    %dma_start3A_137 = tpu.memref_slice %arg10[%dma_start3A_133, %dma_start3A_135, %dma_start3A_136] : memref<7x128x128xf32, #tpu.memory_space<vmem>> -> memref<1x128x128xf32, #tpu.memory_space<vmem>>
    %dma_start3A_138 = tpu.memref_squeeze %dma_start3A_137 : memref<1x128x128xf32, #tpu.memory_space<vmem>> -> memref<128x128xf32, #tpu.memory_space<vmem>>
    %dma_start3A_139 = arith.constant 0 : i32
    %dma_start3A_140 = tpu.memref_slice %arg9[%dma_start3A_132, %dma_start3A_139] : memref<4x128xi32, #tpu.memory_space<vmem>> -> memref<1x128xi32, #tpu.memory_space<vmem>>
    %dma_start3A_141 = tpu.memref_squeeze %dma_start3A_140 : memref<1x128xi32, #tpu.memory_space<vmem>> -> memref<128xi32, #tpu.memory_space<vmem>>
    %dma_start3A_142 = arith.constant 0 : i32
    %dma_start3A_143 = arith.constant 0 : i32
    %dma_start3A_144 = tpu.memref_slice %arg5[%dma_start3A_142, %dma_start3A_143] : memref<100000x128xf32, #tpu.memory_space<hbm>> -> memref<100000x128xf32, #tpu.memory_space<hbm>>
    %dma_start3A_145 = tpu.memref_slice %arg12[%dma_start3A_134] : memref<8x!tpu.dma_semaphore, #tpu.memory_space<semaphore_mem>> -> memref<1x!tpu.dma_semaphore, #tpu.memory_space<semaphore_mem>>
    %dma_start3A_146 = tpu.memref_squeeze %dma_start3A_145 : memref<1x!tpu.dma_semaphore, #tpu.memory_space<semaphore_mem>> -> memref<!tpu.dma_semaphore, #tpu.memory_space<semaphore_mem>>
    tpu.enqueue_indirect_dma source(%dma_start3A_144 : memref<100000x128xf32, #tpu.memory_space<hbm>>) target(%dma_start3A_138 : memref<128x128xf32, #tpu.memory_space<vmem>>) offsets(%dma_start3A_141 : memref<128xi32, #tpu.memory_space<vmem>>) semaphore(%dma_start3A_146 : memref<!tpu.dma_semaphore, #tpu.memory_space<semaphore_mem>>)
    %add3A_147 = arith.constant 384 : i32
    %add3A_148 = arith.addi %mul3A_2, %add3A_147 : i32
    %dma_start3A_149 = arith.constant 3 : i32
    %dma_start3A_150 = arith.constant 6 : i32
    %dma_start3A_151 = arith.constant 6 : i32
    %dma_start3A_152 = arith.constant 0 : i32
    %dma_start3A_153 = arith.constant 0 : i32
    %dma_start3A_154 = tpu.memref_slice %arg10[%dma_start3A_150, %dma_start3A_152, %dma_start3A_153] : memref<7x128x128xf32, #tpu.memory_space<vmem>> -> memref<1x128x128xf32, #tpu.memory_space<vmem>>
    %dma_start3A_155 = tpu.memref_squeeze %dma_start3A_154 : memref<1x128x128xf32, #tpu.memory_space<vmem>> -> memref<128x128xf32, #tpu.memory_space<vmem>>
    %dma_start3A_156 = arith.constant 0 : i32
    %dma_start3A_157 = tpu.memref_slice %arg8[%dma_start3A_149, %dma_start3A_156] : memref<4x128xi32, #tpu.memory_space<vmem>> -> memref<1x128xi32, #tpu.memory_space<vmem>>
    %dma_start3A_158 = tpu.memref_squeeze %dma_start3A_157 : memref<1x128xi32, #tpu.memory_space<vmem>> -> memref<128xi32, #tpu.memory_space<vmem>>
    %dma_start3A_159 = arith.constant 0 : i32
    %dma_start3A_160 = arith.constant 0 : i32
    %dma_start3A_161 = tpu.memref_slice %arg4[%dma_start3A_159, %dma_start3A_160] : memref<1000000x128xf32, #tpu.memory_space<hbm>> -> memref<1000000x128xf32, #tpu.memory_space<hbm>>
    %dma_start3A_162 = tpu.memref_slice %arg12[%dma_start3A_151] : memref<8x!tpu.dma_semaphore, #tpu.memory_space<semaphore_mem>> -> memref<1x!tpu.dma_semaphore, #tpu.memory_space<semaphore_mem>>
    %dma_start3A_163 = tpu.memref_squeeze %dma_start3A_162 : memref<1x!tpu.dma_semaphore, #tpu.memory_space<semaphore_mem>> -> memref<!tpu.dma_semaphore, #tpu.memory_space<semaphore_mem>>
    tpu.enqueue_indirect_dma source(%dma_start3A_161 : memref<1000000x128xf32, #tpu.memory_space<hbm>>) target(%dma_start3A_155 : memref<128x128xf32, #tpu.memory_space<vmem>>) offsets(%dma_start3A_158 : memref<128xi32, #tpu.memory_space<vmem>>) semaphore(%dma_start3A_163 : memref<!tpu.dma_semaphore, #tpu.memory_space<semaphore_mem>>)
    %add3A_164 = arith.constant 0 : i32
    %add3A_165 = arith.addi %mul3A_2, %add3A_164 : i32
    %dma_wait3A_166 = arith.constant 0 : i32
    %dma_wait3A_167 = arith.constant 0 : i32
    %dma_wait3A_168 = arith.constant 0 : i32
    %dma_wait3A_169 = arith.constant 0 : i32
    %dma_wait3A_170 = arith.constant 0 : i32
    %dma_wait3A_171 = tpu.memref_slice %arg10[%dma_wait3A_167, %dma_wait3A_169, %dma_wait3A_170] : memref<7x128x128xf32, #tpu.memory_space<vmem>> -> memref<1x128x128xf32, #tpu.memory_space<vmem>>
    %dma_wait3A_172 = tpu.memref_squeeze %dma_wait3A_171 : memref<1x128x128xf32, #tpu.memory_space<vmem>> -> memref<128x128xf32, #tpu.memory_space<vmem>>
    %dma_wait3A_173 = arith.constant 0 : i32
    %dma_wait3A_174 = tpu.memref_slice %arg8[%dma_wait3A_166, %dma_wait3A_173] : memref<4x128xi32, #tpu.memory_space<vmem>> -> memref<1x128xi32, #tpu.memory_space<vmem>>
    %dma_wait3A_175 = tpu.memref_squeeze %dma_wait3A_174 : memref<1x128xi32, #tpu.memory_space<vmem>> -> memref<128xi32, #tpu.memory_space<vmem>>
    %dma_wait3A_176 = arith.constant 0 : i32
    %dma_wait3A_177 = arith.constant 0 : i32
    %dma_wait3A_178 = tpu.memref_slice %arg4[%dma_wait3A_176, %dma_wait3A_177] : memref<1000000x128xf32, #tpu.memory_space<hbm>> -> memref<1000000x128xf32, #tpu.memory_space<hbm>>
    %dma_wait3A_179 = tpu.memref_slice %arg12[%dma_wait3A_168] : memref<8x!tpu.dma_semaphore, #tpu.memory_space<semaphore_mem>> -> memref<1x!tpu.dma_semaphore, #tpu.memory_space<semaphore_mem>>
    %dma_wait3A_180 = tpu.memref_squeeze %dma_wait3A_179 : memref<1x!tpu.dma_semaphore, #tpu.memory_space<semaphore_mem>> -> memref<!tpu.dma_semaphore, #tpu.memory_space<semaphore_mem>>
    tpu.wait_indirect_dma semaphore(%dma_wait3A_180 : memref<!tpu.dma_semaphore, #tpu.memory_space<semaphore_mem>>) src(%dma_wait3A_178 : memref<1000000x128xf32, #tpu.memory_space<hbm>>) dst(%dma_wait3A_172 : memref<128x128xf32, #tpu.memory_space<vmem>>)
    %dma_start3A_181 = arith.constant 0 : i32
    %dma_start3A_182 = arith.constant 0 : i32
    %dma_start3A_183 = arith.constant 0 : i32
    %dma_start3A_184 = arith.constant 0 : i32
    %dma_start3A_185 = tpu.memref_slice %arg10[%dma_start3A_181, %dma_start3A_183, %dma_start3A_184] : memref<7x128x128xf32, #tpu.memory_space<vmem>> -> memref<1x128x128xf32, #tpu.memory_space<vmem>>
    %dma_start3A_186 = tpu.memref_squeeze %dma_start3A_185 : memref<1x128x128xf32, #tpu.memory_space<vmem>> -> memref<128x128xf32, #tpu.memory_space<vmem>>
    %dma_start3A_187 = arith.constant 0 : i32
    %dma_start3A_188 = tpu.memref_slice %arg6[%add3A_165, %dma_start3A_187] : memref<16384x128xf32, #tpu.memory_space<hbm>> -> memref<128x128xf32, #tpu.memory_space<hbm>>
    %dma_start3A_189 = tpu.memref_slice %arg13[%dma_start3A_182] : memref<8x!tpu.dma_semaphore, #tpu.memory_space<semaphore_mem>> -> memref<1x!tpu.dma_semaphore, #tpu.memory_space<semaphore_mem>>
    %dma_start3A_190 = tpu.memref_squeeze %dma_start3A_189 : memref<1x!tpu.dma_semaphore, #tpu.memory_space<semaphore_mem>> -> memref<!tpu.dma_semaphore, #tpu.memory_space<semaphore_mem>>
    %dma_start3A_191 = arith.constant 0 : i32
    %dma_start3A_192 = tpu.memref_slice %arg6[%add3A_165, %dma_start3A_191] : memref<16384x128xf32, #tpu.memory_space<hbm>> -> memref<128x128xf32, #tpu.memory_space<hbm>>
    %dma_start3A_193 = arith.constant 0 : i32
    %dma_start3A_194 = arith.constant 0 : i32
    %dma_start3A_195 = tpu.memref_slice %arg10[%dma_start3A_181, %dma_start3A_193, %dma_start3A_194] : memref<7x128x128xf32, #tpu.memory_space<vmem>> -> memref<1x128x128xf32, #tpu.memory_space<vmem>>
    %dma_start3A_196 = tpu.memref_squeeze %dma_start3A_195 : memref<1x128x128xf32, #tpu.memory_space<vmem>> -> memref<128x128xf32, #tpu.memory_space<vmem>>
    tpu.enqueue_dma source(%dma_start3A_196 : memref<128x128xf32, #tpu.memory_space<vmem>>) target(%dma_start3A_192 : memref<128x128xf32, #tpu.memory_space<hbm>>) target_semaphore(%dma_start3A_190 : memref<!tpu.dma_semaphore, #tpu.memory_space<semaphore_mem>>)
    %dma_wait3A_197 = arith.constant 0 : i32
    %dma_wait3A_198 = arith.constant 0 : i32
    %dma_wait3A_199 = arith.constant 0 : i32
    %dma_wait3A_200 = arith.constant 0 : i32
    %dma_wait3A_201 = tpu.memref_slice %arg10[%dma_wait3A_197, %dma_wait3A_199, %dma_wait3A_200] : memref<7x128x128xf32, #tpu.memory_space<vmem>> -> memref<1x128x128xf32, #tpu.memory_space<vmem>>
    %dma_wait3A_202 = tpu.memref_squeeze %dma_wait3A_201 : memref<1x128x128xf32, #tpu.memory_space<vmem>> -> memref<128x128xf32, #tpu.memory_space<vmem>>
    %dma_wait3A_203 = arith.constant 0 : i32
    %dma_wait3A_204 = tpu.memref_slice %arg6[%add3A_165, %dma_wait3A_203] : memref<16384x128xf32, #tpu.memory_space<hbm>> -> memref<128x128xf32, #tpu.memory_space<hbm>>
    %dma_wait3A_205 = tpu.memref_slice %arg13[%dma_wait3A_198] : memref<8x!tpu.dma_semaphore, #tpu.memory_space<semaphore_mem>> -> memref<1x!tpu.dma_semaphore, #tpu.memory_space<semaphore_mem>>
    %dma_wait3A_206 = tpu.memref_squeeze %dma_wait3A_205 : memref<1x!tpu.dma_semaphore, #tpu.memory_space<semaphore_mem>> -> memref<!tpu.dma_semaphore, #tpu.memory_space<semaphore_mem>>
    %dma_wait3A_207 = arith.constant 0 : i32
    %dma_wait3A_208 = tpu.memref_slice %arg6[%add3A_165, %dma_wait3A_207] : memref<16384x128xf32, #tpu.memory_space<hbm>> -> memref<128x128xf32, #tpu.memory_space<hbm>>
    %dma_wait3A_209 = arith.constant 0 : i32
    %dma_wait3A_210 = arith.constant 0 : i32
    %dma_wait3A_211 = tpu.memref_slice %arg10[%dma_wait3A_197, %dma_wait3A_209, %dma_wait3A_210] : memref<7x128x128xf32, #tpu.memory_space<vmem>> -> memref<1x128x128xf32, #tpu.memory_space<vmem>>
    %dma_wait3A_212 = tpu.memref_squeeze %dma_wait3A_211 : memref<1x128x128xf32, #tpu.memory_space<vmem>> -> memref<128x128xf32, #tpu.memory_space<vmem>>
    tpu.wait_dma2 semaphore(%dma_wait3A_206 : memref<!tpu.dma_semaphore, #tpu.memory_space<semaphore_mem>>) src(%dma_wait3A_212 : memref<128x128xf32, #tpu.memory_space<vmem>>) dst(%dma_wait3A_208 : memref<128x128xf32, #tpu.memory_space<hbm>>)
    %add3A_213 = arith.constant 384 : i32
    %add3A_214 = arith.addi %mul3A_2, %add3A_213 : i32
    %dma_start3A_215 = arith.constant 3 : i32
    %dma_start3A_216 = arith.constant 0 : i32
    %dma_start3A_217 = arith.constant 7 : i32
    %dma_start3A_218 = arith.constant 0 : i32
    %dma_start3A_219 = arith.constant 0 : i32
    %dma_start3A_220 = tpu.memref_slice %arg10[%dma_start3A_216, %dma_start3A_218, %dma_start3A_219] : memref<7x128x128xf32, #tpu.memory_space<vmem>> -> memref<1x128x128xf32, #tpu.memory_space<vmem>>
    %dma_start3A_221 = tpu.memref_squeeze %dma_start3A_220 : memref<1x128x128xf32, #tpu.memory_space<vmem>> -> memref<128x128xf32, #tpu.memory_space<vmem>>
    %dma_start3A_222 = arith.constant 0 : i32
    %dma_start3A_223 = tpu.memref_slice %arg9[%dma_start3A_215, %dma_start3A_222] : memref<4x128xi32, #tpu.memory_space<vmem>> -> memref<1x128xi32, #tpu.memory_space<vmem>>
    %dma_start3A_224 = tpu.memref_squeeze %dma_start3A_223 : memref<1x128xi32, #tpu.memory_space<vmem>> -> memref<128xi32, #tpu.memory_space<vmem>>
    %dma_start3A_225 = arith.constant 0 : i32
    %dma_start3A_226 = arith.constant 0 : i32
    %dma_start3A_227 = tpu.memref_slice %arg5[%dma_start3A_225, %dma_start3A_226] : memref<100000x128xf32, #tpu.memory_space<hbm>> -> memref<100000x128xf32, #tpu.memory_space<hbm>>
    %dma_start3A_228 = tpu.memref_slice %arg12[%dma_start3A_217] : memref<8x!tpu.dma_semaphore, #tpu.memory_space<semaphore_mem>> -> memref<1x!tpu.dma_semaphore, #tpu.memory_space<semaphore_mem>>
    %dma_start3A_229 = tpu.memref_squeeze %dma_start3A_228 : memref<1x!tpu.dma_semaphore, #tpu.memory_space<semaphore_mem>> -> memref<!tpu.dma_semaphore, #tpu.memory_space<semaphore_mem>>
    tpu.enqueue_indirect_dma source(%dma_start3A_227 : memref<100000x128xf32, #tpu.memory_space<hbm>>) target(%dma_start3A_221 : memref<128x128xf32, #tpu.memory_space<vmem>>) offsets(%dma_start3A_224 : memref<128xi32, #tpu.memory_space<vmem>>) semaphore(%dma_start3A_229 : memref<!tpu.dma_semaphore, #tpu.memory_space<semaphore_mem>>)
    %add3A_230 = arith.constant 0 : i32
    %add3A_231 = arith.addi %mul3A_2, %add3A_230 : i32
    %dma_wait3A_232 = arith.constant 0 : i32
    %dma_wait3A_233 = arith.constant 1 : i32
    %dma_wait3A_234 = arith.constant 1 : i32
    %dma_wait3A_235 = arith.constant 0 : i32
    %dma_wait3A_236 = arith.constant 0 : i32
    %dma_wait3A_237 = tpu.memref_slice %arg10[%dma_wait3A_233, %dma_wait3A_235, %dma_wait3A_236] : memref<7x128x128xf32, #tpu.memory_space<vmem>> -> memref<1x128x128xf32, #tpu.memory_space<vmem>>
    %dma_wait3A_238 = tpu.memref_squeeze %dma_wait3A_237 : memref<1x128x128xf32, #tpu.memory_space<vmem>> -> memref<128x128xf32, #tpu.memory_space<vmem>>
    %dma_wait3A_239 = arith.constant 0 : i32
    %dma_wait3A_240 = tpu.memref_slice %arg9[%dma_wait3A_232, %dma_wait3A_239] : memref<4x128xi32, #tpu.memory_space<vmem>> -> memref<1x128xi32, #tpu.memory_space<vmem>>
    %dma_wait3A_241 = tpu.memref_squeeze %dma_wait3A_240 : memref<1x128xi32, #tpu.memory_space<vmem>> -> memref<128xi32, #tpu.memory_space<vmem>>
    %dma_wait3A_242 = arith.constant 0 : i32
    %dma_wait3A_243 = arith.constant 0 : i32
    %dma_wait3A_244 = tpu.memref_slice %arg5[%dma_wait3A_242, %dma_wait3A_243] : memref<100000x128xf32, #tpu.memory_space<hbm>> -> memref<100000x128xf32, #tpu.memory_space<hbm>>
    %dma_wait3A_245 = tpu.memref_slice %arg12[%dma_wait3A_234] : memref<8x!tpu.dma_semaphore, #tpu.memory_space<semaphore_mem>> -> memref<1x!tpu.dma_semaphore, #tpu.memory_space<semaphore_mem>>
    %dma_wait3A_246 = tpu.memref_squeeze %dma_wait3A_245 : memref<1x!tpu.dma_semaphore, #tpu.memory_space<semaphore_mem>> -> memref<!tpu.dma_semaphore, #tpu.memory_space<semaphore_mem>>
    tpu.wait_indirect_dma semaphore(%dma_wait3A_246 : memref<!tpu.dma_semaphore, #tpu.memory_space<semaphore_mem>>) src(%dma_wait3A_244 : memref<100000x128xf32, #tpu.memory_space<hbm>>) dst(%dma_wait3A_238 : memref<128x128xf32, #tpu.memory_space<vmem>>)
    %dma_start3A_247 = arith.constant 1 : i32
    %dma_start3A_248 = arith.constant 1 : i32
    %dma_start3A_249 = arith.constant 0 : i32
    %dma_start3A_250 = arith.constant 0 : i32
    %dma_start3A_251 = tpu.memref_slice %arg10[%dma_start3A_247, %dma_start3A_249, %dma_start3A_250] : memref<7x128x128xf32, #tpu.memory_space<vmem>> -> memref<1x128x128xf32, #tpu.memory_space<vmem>>
    %dma_start3A_252 = tpu.memref_squeeze %dma_start3A_251 : memref<1x128x128xf32, #tpu.memory_space<vmem>> -> memref<128x128xf32, #tpu.memory_space<vmem>>
    %dma_start3A_253 = arith.constant 0 : i32
    %dma_start3A_254 = tpu.memref_slice %arg7[%add3A_231, %dma_start3A_253] : memref<16384x128xf32, #tpu.memory_space<hbm>> -> memref<128x128xf32, #tpu.memory_space<hbm>>
    %dma_start3A_255 = tpu.memref_slice %arg13[%dma_start3A_248] : memref<8x!tpu.dma_semaphore, #tpu.memory_space<semaphore_mem>> -> memref<1x!tpu.dma_semaphore, #tpu.memory_space<semaphore_mem>>
    %dma_start3A_256 = tpu.memref_squeeze %dma_start3A_255 : memref<1x!tpu.dma_semaphore, #tpu.memory_space<semaphore_mem>> -> memref<!tpu.dma_semaphore, #tpu.memory_space<semaphore_mem>>
    %dma_start3A_257 = arith.constant 0 : i32
    %dma_start3A_258 = tpu.memref_slice %arg7[%add3A_231, %dma_start3A_257] : memref<16384x128xf32, #tpu.memory_space<hbm>> -> memref<128x128xf32, #tpu.memory_space<hbm>>
    %dma_start3A_259 = arith.constant 0 : i32
    %dma_start3A_260 = arith.constant 0 : i32
    %dma_start3A_261 = tpu.memref_slice %arg10[%dma_start3A_247, %dma_start3A_259, %dma_start3A_260] : memref<7x128x128xf32, #tpu.memory_space<vmem>> -> memref<1x128x128xf32, #tpu.memory_space<vmem>>
    %dma_start3A_262 = tpu.memref_squeeze %dma_start3A_261 : memref<1x128x128xf32, #tpu.memory_space<vmem>> -> memref<128x128xf32, #tpu.memory_space<vmem>>
    tpu.enqueue_dma source(%dma_start3A_262 : memref<128x128xf32, #tpu.memory_space<vmem>>) target(%dma_start3A_258 : memref<128x128xf32, #tpu.memory_space<hbm>>) target_semaphore(%dma_start3A_256 : memref<!tpu.dma_semaphore, #tpu.memory_space<semaphore_mem>>)
    %add3A_263 = arith.constant 128 : i32
    %add3A_264 = arith.addi %mul3A_2, %add3A_263 : i32
    %dma_wait3A_265 = arith.constant 1 : i32
    %dma_wait3A_266 = arith.constant 2 : i32
    %dma_wait3A_267 = arith.constant 2 : i32
    %dma_wait3A_268 = arith.constant 0 : i32
    %dma_wait3A_269 = arith.constant 0 : i32
    %dma_wait3A_270 = tpu.memref_slice %arg10[%dma_wait3A_266, %dma_wait3A_268, %dma_wait3A_269] : memref<7x128x128xf32, #tpu.memory_space<vmem>> -> memref<1x128x128xf32, #tpu.memory_space<vmem>>
    %dma_wait3A_271 = tpu.memref_squeeze %dma_wait3A_270 : memref<1x128x128xf32, #tpu.memory_space<vmem>> -> memref<128x128xf32, #tpu.memory_space<vmem>>
    %dma_wait3A_272 = arith.constant 0 : i32
    %dma_wait3A_273 = tpu.memref_slice %arg8[%dma_wait3A_265, %dma_wait3A_272] : memref<4x128xi32, #tpu.memory_space<vmem>> -> memref<1x128xi32, #tpu.memory_space<vmem>>
    %dma_wait3A_274 = tpu.memref_squeeze %dma_wait3A_273 : memref<1x128xi32, #tpu.memory_space<vmem>> -> memref<128xi32, #tpu.memory_space<vmem>>
    %dma_wait3A_275 = arith.constant 0 : i32
    %dma_wait3A_276 = arith.constant 0 : i32
    %dma_wait3A_277 = tpu.memref_slice %arg4[%dma_wait3A_275, %dma_wait3A_276] : memref<1000000x128xf32, #tpu.memory_space<hbm>> -> memref<1000000x128xf32, #tpu.memory_space<hbm>>
    %dma_wait3A_278 = tpu.memref_slice %arg12[%dma_wait3A_267] : memref<8x!tpu.dma_semaphore, #tpu.memory_space<semaphore_mem>> -> memref<1x!tpu.dma_semaphore, #tpu.memory_space<semaphore_mem>>
    %dma_wait3A_279 = tpu.memref_squeeze %dma_wait3A_278 : memref<1x!tpu.dma_semaphore, #tpu.memory_space<semaphore_mem>> -> memref<!tpu.dma_semaphore, #tpu.memory_space<semaphore_mem>>
    tpu.wait_indirect_dma semaphore(%dma_wait3A_279 : memref<!tpu.dma_semaphore, #tpu.memory_space<semaphore_mem>>) src(%dma_wait3A_277 : memref<1000000x128xf32, #tpu.memory_space<hbm>>) dst(%dma_wait3A_271 : memref<128x128xf32, #tpu.memory_space<vmem>>)
    %dma_start3A_280 = arith.constant 2 : i32
    %dma_start3A_281 = arith.constant 2 : i32
    %dma_start3A_282 = arith.constant 0 : i32
    %dma_start3A_283 = arith.constant 0 : i32
    %dma_start3A_284 = tpu.memref_slice %arg10[%dma_start3A_280, %dma_start3A_282, %dma_start3A_283] : memref<7x128x128xf32, #tpu.memory_space<vmem>> -> memref<1x128x128xf32, #tpu.memory_space<vmem>>
    %dma_start3A_285 = tpu.memref_squeeze %dma_start3A_284 : memref<1x128x128xf32, #tpu.memory_space<vmem>> -> memref<128x128xf32, #tpu.memory_space<vmem>>
    %dma_start3A_286 = arith.constant 0 : i32
    %dma_start3A_287 = tpu.memref_slice %arg6[%add3A_264, %dma_start3A_286] : memref<16384x128xf32, #tpu.memory_space<hbm>> -> memref<128x128xf32, #tpu.memory_space<hbm>>
    %dma_start3A_288 = tpu.memref_slice %arg13[%dma_start3A_281] : memref<8x!tpu.dma_semaphore, #tpu.memory_space<semaphore_mem>> -> memref<1x!tpu.dma_semaphore, #tpu.memory_space<semaphore_mem>>
    %dma_start3A_289 = tpu.memref_squeeze %dma_start3A_288 : memref<1x!tpu.dma_semaphore, #tpu.memory_space<semaphore_mem>> -> memref<!tpu.dma_semaphore, #tpu.memory_space<semaphore_mem>>
    %dma_start3A_290 = arith.constant 0 : i32
    %dma_start3A_291 = tpu.memref_slice %arg6[%add3A_264, %dma_start3A_290] : memref<16384x128xf32, #tpu.memory_space<hbm>> -> memref<128x128xf32, #tpu.memory_space<hbm>>
    %dma_start3A_292 = arith.constant 0 : i32
    %dma_start3A_293 = arith.constant 0 : i32
    %dma_start3A_294 = tpu.memref_slice %arg10[%dma_start3A_280, %dma_start3A_292, %dma_start3A_293] : memref<7x128x128xf32, #tpu.memory_space<vmem>> -> memref<1x128x128xf32, #tpu.memory_space<vmem>>
    %dma_start3A_295 = tpu.memref_squeeze %dma_start3A_294 : memref<1x128x128xf32, #tpu.memory_space<vmem>> -> memref<128x128xf32, #tpu.memory_space<vmem>>
    tpu.enqueue_dma source(%dma_start3A_295 : memref<128x128xf32, #tpu.memory_space<vmem>>) target(%dma_start3A_291 : memref<128x128xf32, #tpu.memory_space<hbm>>) target_semaphore(%dma_start3A_289 : memref<!tpu.dma_semaphore, #tpu.memory_space<semaphore_mem>>)
    %add3A_296 = arith.constant 128 : i32
    %add3A_297 = arith.addi %mul3A_2, %add3A_296 : i32
    %dma_wait3A_298 = arith.constant 1 : i32
    %dma_wait3A_299 = arith.constant 3 : i32
    %dma_wait3A_300 = arith.constant 3 : i32
    %dma_wait3A_301 = arith.constant 0 : i32
    %dma_wait3A_302 = arith.constant 0 : i32
    %dma_wait3A_303 = tpu.memref_slice %arg10[%dma_wait3A_299, %dma_wait3A_301, %dma_wait3A_302] : memref<7x128x128xf32, #tpu.memory_space<vmem>> -> memref<1x128x128xf32, #tpu.memory_space<vmem>>
    %dma_wait3A_304 = tpu.memref_squeeze %dma_wait3A_303 : memref<1x128x128xf32, #tpu.memory_space<vmem>> -> memref<128x128xf32, #tpu.memory_space<vmem>>
    %dma_wait3A_305 = arith.constant 0 : i32
    %dma_wait3A_306 = tpu.memref_slice %arg9[%dma_wait3A_298, %dma_wait3A_305] : memref<4x128xi32, #tpu.memory_space<vmem>> -> memref<1x128xi32, #tpu.memory_space<vmem>>
    %dma_wait3A_307 = tpu.memref_squeeze %dma_wait3A_306 : memref<1x128xi32, #tpu.memory_space<vmem>> -> memref<128xi32, #tpu.memory_space<vmem>>
    %dma_wait3A_308 = arith.constant 0 : i32
    %dma_wait3A_309 = arith.constant 0 : i32
    %dma_wait3A_310 = tpu.memref_slice %arg5[%dma_wait3A_308, %dma_wait3A_309] : memref<100000x128xf32, #tpu.memory_space<hbm>> -> memref<100000x128xf32, #tpu.memory_space<hbm>>
    %dma_wait3A_311 = tpu.memref_slice %arg12[%dma_wait3A_300] : memref<8x!tpu.dma_semaphore, #tpu.memory_space<semaphore_mem>> -> memref<1x!tpu.dma_semaphore, #tpu.memory_space<semaphore_mem>>
    %dma_wait3A_312 = tpu.memref_squeeze %dma_wait3A_311 : memref<1x!tpu.dma_semaphore, #tpu.memory_space<semaphore_mem>> -> memref<!tpu.dma_semaphore, #tpu.memory_space<semaphore_mem>>
    tpu.wait_indirect_dma semaphore(%dma_wait3A_312 : memref<!tpu.dma_semaphore, #tpu.memory_space<semaphore_mem>>) src(%dma_wait3A_310 : memref<100000x128xf32, #tpu.memory_space<hbm>>) dst(%dma_wait3A_304 : memref<128x128xf32, #tpu.memory_space<vmem>>)
    %dma_start3A_313 = arith.constant 3 : i32
    %dma_start3A_314 = arith.constant 3 : i32
    %dma_start3A_315 = arith.constant 0 : i32
    %dma_start3A_316 = arith.constant 0 : i32
    %dma_start3A_317 = tpu.memref_slice %arg10[%dma_start3A_313, %dma_start3A_315, %dma_start3A_316] : memref<7x128x128xf32, #tpu.memory_space<vmem>> -> memref<1x128x128xf32, #tpu.memory_space<vmem>>
    %dma_start3A_318 = tpu.memref_squeeze %dma_start3A_317 : memref<1x128x128xf32, #tpu.memory_space<vmem>> -> memref<128x128xf32, #tpu.memory_space<vmem>>
    %dma_start3A_319 = arith.constant 0 : i32
    %dma_start3A_320 = tpu.memref_slice %arg7[%add3A_297, %dma_start3A_319] : memref<16384x128xf32, #tpu.memory_space<hbm>> -> memref<128x128xf32, #tpu.memory_space<hbm>>
    %dma_start3A_321 = tpu.memref_slice %arg13[%dma_start3A_314] : memref<8x!tpu.dma_semaphore, #tpu.memory_space<semaphore_mem>> -> memref<1x!tpu.dma_semaphore, #tpu.memory_space<semaphore_mem>>
    %dma_start3A_322 = tpu.memref_squeeze %dma_start3A_321 : memref<1x!tpu.dma_semaphore, #tpu.memory_space<semaphore_mem>> -> memref<!tpu.dma_semaphore, #tpu.memory_space<semaphore_mem>>
    %dma_start3A_323 = arith.constant 0 : i32
    %dma_start3A_324 = tpu.memref_slice %arg7[%add3A_297, %dma_start3A_323] : memref<16384x128xf32, #tpu.memory_space<hbm>> -> memref<128x128xf32, #tpu.memory_space<hbm>>
    %dma_start3A_325 = arith.constant 0 : i32
    %dma_start3A_326 = arith.constant 0 : i32
    %dma_start3A_327 = tpu.memref_slice %arg10[%dma_start3A_313, %dma_start3A_325, %dma_start3A_326] : memref<7x128x128xf32, #tpu.memory_space<vmem>> -> memref<1x128x128xf32, #tpu.memory_space<vmem>>
    %dma_start3A_328 = tpu.memref_squeeze %dma_start3A_327 : memref<1x128x128xf32, #tpu.memory_space<vmem>> -> memref<128x128xf32, #tpu.memory_space<vmem>>
    tpu.enqueue_dma source(%dma_start3A_328 : memref<128x128xf32, #tpu.memory_space<vmem>>) target(%dma_start3A_324 : memref<128x128xf32, #tpu.memory_space<hbm>>) target_semaphore(%dma_start3A_322 : memref<!tpu.dma_semaphore, #tpu.memory_space<semaphore_mem>>)
    %add3A_329 = arith.constant 256 : i32
    %add3A_330 = arith.addi %mul3A_2, %add3A_329 : i32
    %dma_wait3A_331 = arith.constant 2 : i32
    %dma_wait3A_332 = arith.constant 4 : i32
    %dma_wait3A_333 = arith.constant 4 : i32
    %dma_wait3A_334 = arith.constant 0 : i32
    %dma_wait3A_335 = arith.constant 0 : i32
    %dma_wait3A_336 = tpu.memref_slice %arg10[%dma_wait3A_332, %dma_wait3A_334, %dma_wait3A_335] : memref<7x128x128xf32, #tpu.memory_space<vmem>> -> memref<1x128x128xf32, #tpu.memory_space<vmem>>
    %dma_wait3A_337 = tpu.memref_squeeze %dma_wait3A_336 : memref<1x128x128xf32, #tpu.memory_space<vmem>> -> memref<128x128xf32, #tpu.memory_space<vmem>>
    %dma_wait3A_338 = arith.constant 0 : i32
    %dma_wait3A_339 = tpu.memref_slice %arg8[%dma_wait3A_331, %dma_wait3A_338] : memref<4x128xi32, #tpu.memory_space<vmem>> -> memref<1x128xi32, #tpu.memory_space<vmem>>
    %dma_wait3A_340 = tpu.memref_squeeze %dma_wait3A_339 : memref<1x128xi32, #tpu.memory_space<vmem>> -> memref<128xi32, #tpu.memory_space<vmem>>
    %dma_wait3A_341 = arith.constant 0 : i32
    %dma_wait3A_342 = arith.constant 0 : i32
    %dma_wait3A_343 = tpu.memref_slice %arg4[%dma_wait3A_341, %dma_wait3A_342] : memref<1000000x128xf32, #tpu.memory_space<hbm>> -> memref<1000000x128xf32, #tpu.memory_space<hbm>>
    %dma_wait3A_344 = tpu.memref_slice %arg12[%dma_wait3A_333] : memref<8x!tpu.dma_semaphore, #tpu.memory_space<semaphore_mem>> -> memref<1x!tpu.dma_semaphore, #tpu.memory_space<semaphore_mem>>
    %dma_wait3A_345 = tpu.memref_squeeze %dma_wait3A_344 : memref<1x!tpu.dma_semaphore, #tpu.memory_space<semaphore_mem>> -> memref<!tpu.dma_semaphore, #tpu.memory_space<semaphore_mem>>
    tpu.wait_indirect_dma semaphore(%dma_wait3A_345 : memref<!tpu.dma_semaphore, #tpu.memory_space<semaphore_mem>>) src(%dma_wait3A_343 : memref<1000000x128xf32, #tpu.memory_space<hbm>>) dst(%dma_wait3A_337 : memref<128x128xf32, #tpu.memory_space<vmem>>)
    %dma_start3A_346 = arith.constant 4 : i32
    %dma_start3A_347 = arith.constant 4 : i32
    %dma_start3A_348 = arith.constant 0 : i32
    %dma_start3A_349 = arith.constant 0 : i32
    %dma_start3A_350 = tpu.memref_slice %arg10[%dma_start3A_346, %dma_start3A_348, %dma_start3A_349] : memref<7x128x128xf32, #tpu.memory_space<vmem>> -> memref<1x128x128xf32, #tpu.memory_space<vmem>>
    %dma_start3A_351 = tpu.memref_squeeze %dma_start3A_350 : memref<1x128x128xf32, #tpu.memory_space<vmem>> -> memref<128x128xf32, #tpu.memory_space<vmem>>
    %dma_start3A_352 = arith.constant 0 : i32
    %dma_start3A_353 = tpu.memref_slice %arg6[%add3A_330, %dma_start3A_352] : memref<16384x128xf32, #tpu.memory_space<hbm>> -> memref<128x128xf32, #tpu.memory_space<hbm>>
    %dma_start3A_354 = tpu.memref_slice %arg13[%dma_start3A_347] : memref<8x!tpu.dma_semaphore, #tpu.memory_space<semaphore_mem>> -> memref<1x!tpu.dma_semaphore, #tpu.memory_space<semaphore_mem>>
    %dma_start3A_355 = tpu.memref_squeeze %dma_start3A_354 : memref<1x!tpu.dma_semaphore, #tpu.memory_space<semaphore_mem>> -> memref<!tpu.dma_semaphore, #tpu.memory_space<semaphore_mem>>
    %dma_start3A_356 = arith.constant 0 : i32
    %dma_start3A_357 = tpu.memref_slice %arg6[%add3A_330, %dma_start3A_356] : memref<16384x128xf32, #tpu.memory_space<hbm>> -> memref<128x128xf32, #tpu.memory_space<hbm>>
    %dma_start3A_358 = arith.constant 0 : i32
    %dma_start3A_359 = arith.constant 0 : i32
    %dma_start3A_360 = tpu.memref_slice %arg10[%dma_start3A_346, %dma_start3A_358, %dma_start3A_359] : memref<7x128x128xf32, #tpu.memory_space<vmem>> -> memref<1x128x128xf32, #tpu.memory_space<vmem>>
    %dma_start3A_361 = tpu.memref_squeeze %dma_start3A_360 : memref<1x128x128xf32, #tpu.memory_space<vmem>> -> memref<128x128xf32, #tpu.memory_space<vmem>>
    tpu.enqueue_dma source(%dma_start3A_361 : memref<128x128xf32, #tpu.memory_space<vmem>>) target(%dma_start3A_357 : memref<128x128xf32, #tpu.memory_space<hbm>>) target_semaphore(%dma_start3A_355 : memref<!tpu.dma_semaphore, #tpu.memory_space<semaphore_mem>>)
    %add3A_362 = arith.constant 256 : i32
    %add3A_363 = arith.addi %mul3A_2, %add3A_362 : i32
    %dma_wait3A_364 = arith.constant 2 : i32
    %dma_wait3A_365 = arith.constant 5 : i32
    %dma_wait3A_366 = arith.constant 5 : i32
    %dma_wait3A_367 = arith.constant 0 : i32
    %dma_wait3A_368 = arith.constant 0 : i32
    %dma_wait3A_369 = tpu.memref_slice %arg10[%dma_wait3A_365, %dma_wait3A_367, %dma_wait3A_368] : memref<7x128x128xf32, #tpu.memory_space<vmem>> -> memref<1x128x128xf32, #tpu.memory_space<vmem>>
    %dma_wait3A_370 = tpu.memref_squeeze %dma_wait3A_369 : memref<1x128x128xf32, #tpu.memory_space<vmem>> -> memref<128x128xf32, #tpu.memory_space<vmem>>
    %dma_wait3A_371 = arith.constant 0 : i32
    %dma_wait3A_372 = tpu.memref_slice %arg9[%dma_wait3A_364, %dma_wait3A_371] : memref<4x128xi32, #tpu.memory_space<vmem>> -> memref<1x128xi32, #tpu.memory_space<vmem>>
    %dma_wait3A_373 = tpu.memref_squeeze %dma_wait3A_372 : memref<1x128xi32, #tpu.memory_space<vmem>> -> memref<128xi32, #tpu.memory_space<vmem>>
    %dma_wait3A_374 = arith.constant 0 : i32
    %dma_wait3A_375 = arith.constant 0 : i32
    %dma_wait3A_376 = tpu.memref_slice %arg5[%dma_wait3A_374, %dma_wait3A_375] : memref<100000x128xf32, #tpu.memory_space<hbm>> -> memref<100000x128xf32, #tpu.memory_space<hbm>>
    %dma_wait3A_377 = tpu.memref_slice %arg12[%dma_wait3A_366] : memref<8x!tpu.dma_semaphore, #tpu.memory_space<semaphore_mem>> -> memref<1x!tpu.dma_semaphore, #tpu.memory_space<semaphore_mem>>
    %dma_wait3A_378 = tpu.memref_squeeze %dma_wait3A_377 : memref<1x!tpu.dma_semaphore, #tpu.memory_space<semaphore_mem>> -> memref<!tpu.dma_semaphore, #tpu.memory_space<semaphore_mem>>
    tpu.wait_indirect_dma semaphore(%dma_wait3A_378 : memref<!tpu.dma_semaphore, #tpu.memory_space<semaphore_mem>>) src(%dma_wait3A_376 : memref<100000x128xf32, #tpu.memory_space<hbm>>) dst(%dma_wait3A_370 : memref<128x128xf32, #tpu.memory_space<vmem>>)
    %dma_start3A_379 = arith.constant 5 : i32
    %dma_start3A_380 = arith.constant 5 : i32
    %dma_start3A_381 = arith.constant 0 : i32
    %dma_start3A_382 = arith.constant 0 : i32
    %dma_start3A_383 = tpu.memref_slice %arg10[%dma_start3A_379, %dma_start3A_381, %dma_start3A_382] : memref<7x128x128xf32, #tpu.memory_space<vmem>> -> memref<1x128x128xf32, #tpu.memory_space<vmem>>
    %dma_start3A_384 = tpu.memref_squeeze %dma_start3A_383 : memref<1x128x128xf32, #tpu.memory_space<vmem>> -> memref<128x128xf32, #tpu.memory_space<vmem>>
    %dma_start3A_385 = arith.constant 0 : i32
    %dma_start3A_386 = tpu.memref_slice %arg7[%add3A_363, %dma_start3A_385] : memref<16384x128xf32, #tpu.memory_space<hbm>> -> memref<128x128xf32, #tpu.memory_space<hbm>>
    %dma_start3A_387 = tpu.memref_slice %arg13[%dma_start3A_380] : memref<8x!tpu.dma_semaphore, #tpu.memory_space<semaphore_mem>> -> memref<1x!tpu.dma_semaphore, #tpu.memory_space<semaphore_mem>>
    %dma_start3A_388 = tpu.memref_squeeze %dma_start3A_387 : memref<1x!tpu.dma_semaphore, #tpu.memory_space<semaphore_mem>> -> memref<!tpu.dma_semaphore, #tpu.memory_space<semaphore_mem>>
    %dma_start3A_389 = arith.constant 0 : i32
    %dma_start3A_390 = tpu.memref_slice %arg7[%add3A_363, %dma_start3A_389] : memref<16384x128xf32, #tpu.memory_space<hbm>> -> memref<128x128xf32, #tpu.memory_space<hbm>>
    %dma_start3A_391 = arith.constant 0 : i32
    %dma_start3A_392 = arith.constant 0 : i32
    %dma_start3A_393 = tpu.memref_slice %arg10[%dma_start3A_379, %dma_start3A_391, %dma_start3A_392] : memref<7x128x128xf32, #tpu.memory_space<vmem>> -> memref<1x128x128xf32, #tpu.memory_space<vmem>>
    %dma_start3A_394 = tpu.memref_squeeze %dma_start3A_393 : memref<1x128x128xf32, #tpu.memory_space<vmem>> -> memref<128x128xf32, #tpu.memory_space<vmem>>
    tpu.enqueue_dma source(%dma_start3A_394 : memref<128x128xf32, #tpu.memory_space<vmem>>) target(%dma_start3A_390 : memref<128x128xf32, #tpu.memory_space<hbm>>) target_semaphore(%dma_start3A_388 : memref<!tpu.dma_semaphore, #tpu.memory_space<semaphore_mem>>)
    %add3A_395 = arith.constant 384 : i32
    %add3A_396 = arith.addi %mul3A_2, %add3A_395 : i32
    %dma_wait3A_397 = arith.constant 3 : i32
    %dma_wait3A_398 = arith.constant 6 : i32
    %dma_wait3A_399 = arith.constant 6 : i32
    %dma_wait3A_400 = arith.constant 0 : i32
    %dma_wait3A_401 = arith.constant 0 : i32
    %dma_wait3A_402 = tpu.memref_slice %arg10[%dma_wait3A_398, %dma_wait3A_400, %dma_wait3A_401] : memref<7x128x128xf32, #tpu.memory_space<vmem>> -> memref<1x128x128xf32, #tpu.memory_space<vmem>>
    %dma_wait3A_403 = tpu.memref_squeeze %dma_wait3A_402 : memref<1x128x128xf32, #tpu.memory_space<vmem>> -> memref<128x128xf32, #tpu.memory_space<vmem>>
    %dma_wait3A_404 = arith.constant 0 : i32
    %dma_wait3A_405 = tpu.memref_slice %arg8[%dma_wait3A_397, %dma_wait3A_404] : memref<4x128xi32, #tpu.memory_space<vmem>> -> memref<1x128xi32, #tpu.memory_space<vmem>>
    %dma_wait3A_406 = tpu.memref_squeeze %dma_wait3A_405 : memref<1x128xi32, #tpu.memory_space<vmem>> -> memref<128xi32, #tpu.memory_space<vmem>>
    %dma_wait3A_407 = arith.constant 0 : i32
    %dma_wait3A_408 = arith.constant 0 : i32
    %dma_wait3A_409 = tpu.memref_slice %arg4[%dma_wait3A_407, %dma_wait3A_408] : memref<1000000x128xf32, #tpu.memory_space<hbm>> -> memref<1000000x128xf32, #tpu.memory_space<hbm>>
    %dma_wait3A_410 = tpu.memref_slice %arg12[%dma_wait3A_399] : memref<8x!tpu.dma_semaphore, #tpu.memory_space<semaphore_mem>> -> memref<1x!tpu.dma_semaphore, #tpu.memory_space<semaphore_mem>>
    %dma_wait3A_411 = tpu.memref_squeeze %dma_wait3A_410 : memref<1x!tpu.dma_semaphore, #tpu.memory_space<semaphore_mem>> -> memref<!tpu.dma_semaphore, #tpu.memory_space<semaphore_mem>>
    tpu.wait_indirect_dma semaphore(%dma_wait3A_411 : memref<!tpu.dma_semaphore, #tpu.memory_space<semaphore_mem>>) src(%dma_wait3A_409 : memref<1000000x128xf32, #tpu.memory_space<hbm>>) dst(%dma_wait3A_403 : memref<128x128xf32, #tpu.memory_space<vmem>>)
    %dma_start3A_412 = arith.constant 6 : i32
    %dma_start3A_413 = arith.constant 6 : i32
    %dma_start3A_414 = arith.constant 0 : i32
    %dma_start3A_415 = arith.constant 0 : i32
    %dma_start3A_416 = tpu.memref_slice %arg10[%dma_start3A_412, %dma_start3A_414, %dma_start3A_415] : memref<7x128x128xf32, #tpu.memory_space<vmem>> -> memref<1x128x128xf32, #tpu.memory_space<vmem>>
    %dma_start3A_417 = tpu.memref_squeeze %dma_start3A_416 : memref<1x128x128xf32, #tpu.memory_space<vmem>> -> memref<128x128xf32, #tpu.memory_space<vmem>>
    %dma_start3A_418 = arith.constant 0 : i32
    %dma_start3A_419 = tpu.memref_slice %arg6[%add3A_396, %dma_start3A_418] : memref<16384x128xf32, #tpu.memory_space<hbm>> -> memref<128x128xf32, #tpu.memory_space<hbm>>
    %dma_start3A_420 = tpu.memref_slice %arg13[%dma_start3A_413] : memref<8x!tpu.dma_semaphore, #tpu.memory_space<semaphore_mem>> -> memref<1x!tpu.dma_semaphore, #tpu.memory_space<semaphore_mem>>
    %dma_start3A_421 = tpu.memref_squeeze %dma_start3A_420 : memref<1x!tpu.dma_semaphore, #tpu.memory_space<semaphore_mem>> -> memref<!tpu.dma_semaphore, #tpu.memory_space<semaphore_mem>>
    %dma_start3A_422 = arith.constant 0 : i32
    %dma_start3A_423 = tpu.memref_slice %arg6[%add3A_396, %dma_start3A_422] : memref<16384x128xf32, #tpu.memory_space<hbm>> -> memref<128x128xf32, #tpu.memory_space<hbm>>
    %dma_start3A_424 = arith.constant 0 : i32
    %dma_start3A_425 = arith.constant 0 : i32
    %dma_start3A_426 = tpu.memref_slice %arg10[%dma_start3A_412, %dma_start3A_424, %dma_start3A_425] : memref<7x128x128xf32, #tpu.memory_space<vmem>> -> memref<1x128x128xf32, #tpu.memory_space<vmem>>
    %dma_start3A_427 = tpu.memref_squeeze %dma_start3A_426 : memref<1x128x128xf32, #tpu.memory_space<vmem>> -> memref<128x128xf32, #tpu.memory_space<vmem>>
    tpu.enqueue_dma source(%dma_start3A_427 : memref<128x128xf32, #tpu.memory_space<vmem>>) target(%dma_start3A_423 : memref<128x128xf32, #tpu.memory_space<hbm>>) target_semaphore(%dma_start3A_421 : memref<!tpu.dma_semaphore, #tpu.memory_space<semaphore_mem>>)
    %add3A_428 = arith.constant 384 : i32
    %add3A_429 = arith.addi %mul3A_2, %add3A_428 : i32
    %dma_wait3A_430 = arith.constant 3 : i32
    %dma_wait3A_431 = arith.constant 0 : i32
    %dma_wait3A_432 = arith.constant 7 : i32
    %dma_wait3A_433 = arith.constant 0 : i32
    %dma_wait3A_434 = arith.constant 0 : i32
    %dma_wait3A_435 = tpu.memref_slice %arg10[%dma_wait3A_431, %dma_wait3A_433, %dma_wait3A_434] : memref<7x128x128xf32, #tpu.memory_space<vmem>> -> memref<1x128x128xf32, #tpu.memory_space<vmem>>
    %dma_wait3A_436 = tpu.memref_squeeze %dma_wait3A_435 : memref<1x128x128xf32, #tpu.memory_space<vmem>> -> memref<128x128xf32, #tpu.memory_space<vmem>>
    %dma_wait3A_437 = arith.constant 0 : i32
    %dma_wait3A_438 = tpu.memref_slice %arg9[%dma_wait3A_430, %dma_wait3A_437] : memref<4x128xi32, #tpu.memory_space<vmem>> -> memref<1x128xi32, #tpu.memory_space<vmem>>
    %dma_wait3A_439 = tpu.memref_squeeze %dma_wait3A_438 : memref<1x128xi32, #tpu.memory_space<vmem>> -> memref<128xi32, #tpu.memory_space<vmem>>
    %dma_wait3A_440 = arith.constant 0 : i32
    %dma_wait3A_441 = arith.constant 0 : i32
    %dma_wait3A_442 = tpu.memref_slice %arg5[%dma_wait3A_440, %dma_wait3A_441] : memref<100000x128xf32, #tpu.memory_space<hbm>> -> memref<100000x128xf32, #tpu.memory_space<hbm>>
    %dma_wait3A_443 = tpu.memref_slice %arg12[%dma_wait3A_432] : memref<8x!tpu.dma_semaphore, #tpu.memory_space<semaphore_mem>> -> memref<1x!tpu.dma_semaphore, #tpu.memory_space<semaphore_mem>>
    %dma_wait3A_444 = tpu.memref_squeeze %dma_wait3A_443 : memref<1x!tpu.dma_semaphore, #tpu.memory_space<semaphore_mem>> -> memref<!tpu.dma_semaphore, #tpu.memory_space<semaphore_mem>>
    tpu.wait_indirect_dma semaphore(%dma_wait3A_444 : memref<!tpu.dma_semaphore, #tpu.memory_space<semaphore_mem>>) src(%dma_wait3A_442 : memref<100000x128xf32, #tpu.memory_space<hbm>>) dst(%dma_wait3A_436 : memref<128x128xf32, #tpu.memory_space<vmem>>)
    %dma_start3A_445 = arith.constant 0 : i32
    %dma_start3A_446 = arith.constant 7 : i32
    %dma_start3A_447 = arith.constant 0 : i32
    %dma_start3A_448 = arith.constant 0 : i32
    %dma_start3A_449 = tpu.memref_slice %arg10[%dma_start3A_445, %dma_start3A_447, %dma_start3A_448] : memref<7x128x128xf32, #tpu.memory_space<vmem>> -> memref<1x128x128xf32, #tpu.memory_space<vmem>>
    %dma_start3A_450 = tpu.memref_squeeze %dma_start3A_449 : memref<1x128x128xf32, #tpu.memory_space<vmem>> -> memref<128x128xf32, #tpu.memory_space<vmem>>
    %dma_start3A_451 = arith.constant 0 : i32
    %dma_start3A_452 = tpu.memref_slice %arg7[%add3A_429, %dma_start3A_451] : memref<16384x128xf32, #tpu.memory_space<hbm>> -> memref<128x128xf32, #tpu.memory_space<hbm>>
    %dma_start3A_453 = tpu.memref_slice %arg13[%dma_start3A_446] : memref<8x!tpu.dma_semaphore, #tpu.memory_space<semaphore_mem>> -> memref<1x!tpu.dma_semaphore, #tpu.memory_space<semaphore_mem>>
    %dma_start3A_454 = tpu.memref_squeeze %dma_start3A_453 : memref<1x!tpu.dma_semaphore, #tpu.memory_space<semaphore_mem>> -> memref<!tpu.dma_semaphore, #tpu.memory_space<semaphore_mem>>
    %dma_start3A_455 = arith.constant 0 : i32
    %dma_start3A_456 = tpu.memref_slice %arg7[%add3A_429, %dma_start3A_455] : memref<16384x128xf32, #tpu.memory_space<hbm>> -> memref<128x128xf32, #tpu.memory_space<hbm>>
    %dma_start3A_457 = arith.constant 0 : i32
    %dma_start3A_458 = arith.constant 0 : i32
    %dma_start3A_459 = tpu.memref_slice %arg10[%dma_start3A_445, %dma_start3A_457, %dma_start3A_458] : memref<7x128x128xf32, #tpu.memory_space<vmem>> -> memref<1x128x128xf32, #tpu.memory_space<vmem>>
    %dma_start3A_460 = tpu.memref_squeeze %dma_start3A_459 : memref<1x128x128xf32, #tpu.memory_space<vmem>> -> memref<128x128xf32, #tpu.memory_space<vmem>>
    tpu.enqueue_dma source(%dma_start3A_460 : memref<128x128xf32, #tpu.memory_space<vmem>>) target(%dma_start3A_456 : memref<128x128xf32, #tpu.memory_space<hbm>>) target_semaphore(%dma_start3A_454 : memref<!tpu.dma_semaphore, #tpu.memory_space<semaphore_mem>>)
    %dma_wait3A_461 = arith.constant 1 : i32
    %dma_wait3A_462 = arith.constant 1 : i32
    %dma_wait3A_463 = arith.constant 0 : i32
    %dma_wait3A_464 = arith.constant 0 : i32
    %dma_wait3A_465 = tpu.memref_slice %arg10[%dma_wait3A_461, %dma_wait3A_463, %dma_wait3A_464] : memref<7x128x128xf32, #tpu.memory_space<vmem>> -> memref<1x128x128xf32, #tpu.memory_space<vmem>>
    %dma_wait3A_466 = tpu.memref_squeeze %dma_wait3A_465 : memref<1x128x128xf32, #tpu.memory_space<vmem>> -> memref<128x128xf32, #tpu.memory_space<vmem>>
    %dma_wait3A_467 = arith.constant 0 : i32
    %dma_wait3A_468 = tpu.memref_slice %arg7[%add3A_231, %dma_wait3A_467] : memref<16384x128xf32, #tpu.memory_space<hbm>> -> memref<128x128xf32, #tpu.memory_space<hbm>>
    %dma_wait3A_469 = tpu.memref_slice %arg13[%dma_wait3A_462] : memref<8x!tpu.dma_semaphore, #tpu.memory_space<semaphore_mem>> -> memref<1x!tpu.dma_semaphore, #tpu.memory_space<semaphore_mem>>
    %dma_wait3A_470 = tpu.memref_squeeze %dma_wait3A_469 : memref<1x!tpu.dma_semaphore, #tpu.memory_space<semaphore_mem>> -> memref<!tpu.dma_semaphore, #tpu.memory_space<semaphore_mem>>
    %dma_wait3A_471 = arith.constant 0 : i32
    %dma_wait3A_472 = tpu.memref_slice %arg7[%add3A_231, %dma_wait3A_471] : memref<16384x128xf32, #tpu.memory_space<hbm>> -> memref<128x128xf32, #tpu.memory_space<hbm>>
    %dma_wait3A_473 = arith.constant 0 : i32
    %dma_wait3A_474 = arith.constant 0 : i32
    %dma_wait3A_475 = tpu.memref_slice %arg10[%dma_wait3A_461, %dma_wait3A_473, %dma_wait3A_474] : memref<7x128x128xf32, #tpu.memory_space<vmem>> -> memref<1x128x128xf32, #tpu.memory_space<vmem>>
    %dma_wait3A_476 = tpu.memref_squeeze %dma_wait3A_475 : memref<1x128x128xf32, #tpu.memory_space<vmem>> -> memref<128x128xf32, #tpu.memory_space<vmem>>
    tpu.wait_dma2 semaphore(%dma_wait3A_470 : memref<!tpu.dma_semaphore, #tpu.memory_space<semaphore_mem>>) src(%dma_wait3A_476 : memref<128x128xf32, #tpu.memory_space<vmem>>) dst(%dma_wait3A_472 : memref<128x128xf32, #tpu.memory_space<hbm>>)
    %dma_wait3A_477 = arith.constant 2 : i32
    %dma_wait3A_478 = arith.constant 2 : i32
    %dma_wait3A_479 = arith.constant 0 : i32
    %dma_wait3A_480 = arith.constant 0 : i32
    %dma_wait3A_481 = tpu.memref_slice %arg10[%dma_wait3A_477, %dma_wait3A_479, %dma_wait3A_480] : memref<7x128x128xf32, #tpu.memory_space<vmem>> -> memref<1x128x128xf32, #tpu.memory_space<vmem>>
    %dma_wait3A_482 = tpu.memref_squeeze %dma_wait3A_481 : memref<1x128x128xf32, #tpu.memory_space<vmem>> -> memref<128x128xf32, #tpu.memory_space<vmem>>
    %dma_wait3A_483 = arith.constant 0 : i32
    %dma_wait3A_484 = tpu.memref_slice %arg6[%add3A_264, %dma_wait3A_483] : memref<16384x128xf32, #tpu.memory_space<hbm>> -> memref<128x128xf32, #tpu.memory_space<hbm>>
    %dma_wait3A_485 = tpu.memref_slice %arg13[%dma_wait3A_478] : memref<8x!tpu.dma_semaphore, #tpu.memory_space<semaphore_mem>> -> memref<1x!tpu.dma_semaphore, #tpu.memory_space<semaphore_mem>>
    %dma_wait3A_486 = tpu.memref_squeeze %dma_wait3A_485 : memref<1x!tpu.dma_semaphore, #tpu.memory_space<semaphore_mem>> -> memref<!tpu.dma_semaphore, #tpu.memory_space<semaphore_mem>>
    %dma_wait3A_487 = arith.constant 0 : i32
    %dma_wait3A_488 = tpu.memref_slice %arg6[%add3A_264, %dma_wait3A_487] : memref<16384x128xf32, #tpu.memory_space<hbm>> -> memref<128x128xf32, #tpu.memory_space<hbm>>
    %dma_wait3A_489 = arith.constant 0 : i32
    %dma_wait3A_490 = arith.constant 0 : i32
    %dma_wait3A_491 = tpu.memref_slice %arg10[%dma_wait3A_477, %dma_wait3A_489, %dma_wait3A_490] : memref<7x128x128xf32, #tpu.memory_space<vmem>> -> memref<1x128x128xf32, #tpu.memory_space<vmem>>
    %dma_wait3A_492 = tpu.memref_squeeze %dma_wait3A_491 : memref<1x128x128xf32, #tpu.memory_space<vmem>> -> memref<128x128xf32, #tpu.memory_space<vmem>>
    tpu.wait_dma2 semaphore(%dma_wait3A_486 : memref<!tpu.dma_semaphore, #tpu.memory_space<semaphore_mem>>) src(%dma_wait3A_492 : memref<128x128xf32, #tpu.memory_space<vmem>>) dst(%dma_wait3A_488 : memref<128x128xf32, #tpu.memory_space<hbm>>)
    %dma_wait3A_493 = arith.constant 3 : i32
    %dma_wait3A_494 = arith.constant 3 : i32
    %dma_wait3A_495 = arith.constant 0 : i32
    %dma_wait3A_496 = arith.constant 0 : i32
    %dma_wait3A_497 = tpu.memref_slice %arg10[%dma_wait3A_493, %dma_wait3A_495, %dma_wait3A_496] : memref<7x128x128xf32, #tpu.memory_space<vmem>> -> memref<1x128x128xf32, #tpu.memory_space<vmem>>
    %dma_wait3A_498 = tpu.memref_squeeze %dma_wait3A_497 : memref<1x128x128xf32, #tpu.memory_space<vmem>> -> memref<128x128xf32, #tpu.memory_space<vmem>>
    %dma_wait3A_499 = arith.constant 0 : i32
    %dma_wait3A_500 = tpu.memref_slice %arg7[%add3A_297, %dma_wait3A_499] : memref<16384x128xf32, #tpu.memory_space<hbm>> -> memref<128x128xf32, #tpu.memory_space<hbm>>
    %dma_wait3A_501 = tpu.memref_slice %arg13[%dma_wait3A_494] : memref<8x!tpu.dma_semaphore, #tpu.memory_space<semaphore_mem>> -> memref<1x!tpu.dma_semaphore, #tpu.memory_space<semaphore_mem>>
    %dma_wait3A_502 = tpu.memref_squeeze %dma_wait3A_501 : memref<1x!tpu.dma_semaphore, #tpu.memory_space<semaphore_mem>> -> memref<!tpu.dma_semaphore, #tpu.memory_space<semaphore_mem>>
    %dma_wait3A_503 = arith.constant 0 : i32
    %dma_wait3A_504 = tpu.memref_slice %arg7[%add3A_297, %dma_wait3A_503] : memref<16384x128xf32, #tpu.memory_space<hbm>> -> memref<128x128xf32, #tpu.memory_space<hbm>>
    %dma_wait3A_505 = arith.constant 0 : i32
    %dma_wait3A_506 = arith.constant 0 : i32
    %dma_wait3A_507 = tpu.memref_slice %arg10[%dma_wait3A_493, %dma_wait3A_505, %dma_wait3A_506] : memref<7x128x128xf32, #tpu.memory_space<vmem>> -> memref<1x128x128xf32, #tpu.memory_space<vmem>>
    %dma_wait3A_508 = tpu.memref_squeeze %dma_wait3A_507 : memref<1x128x128xf32, #tpu.memory_space<vmem>> -> memref<128x128xf32, #tpu.memory_space<vmem>>
    tpu.wait_dma2 semaphore(%dma_wait3A_502 : memref<!tpu.dma_semaphore, #tpu.memory_space<semaphore_mem>>) src(%dma_wait3A_508 : memref<128x128xf32, #tpu.memory_space<vmem>>) dst(%dma_wait3A_504 : memref<128x128xf32, #tpu.memory_space<hbm>>)
    %dma_wait3A_509 = arith.constant 4 : i32
    %dma_wait3A_510 = arith.constant 4 : i32
    %dma_wait3A_511 = arith.constant 0 : i32
    %dma_wait3A_512 = arith.constant 0 : i32
    %dma_wait3A_513 = tpu.memref_slice %arg10[%dma_wait3A_509, %dma_wait3A_511, %dma_wait3A_512] : memref<7x128x128xf32, #tpu.memory_space<vmem>> -> memref<1x128x128xf32, #tpu.memory_space<vmem>>
    %dma_wait3A_514 = tpu.memref_squeeze %dma_wait3A_513 : memref<1x128x128xf32, #tpu.memory_space<vmem>> -> memref<128x128xf32, #tpu.memory_space<vmem>>
    %dma_wait3A_515 = arith.constant 0 : i32
    %dma_wait3A_516 = tpu.memref_slice %arg6[%add3A_330, %dma_wait3A_515] : memref<16384x128xf32, #tpu.memory_space<hbm>> -> memref<128x128xf32, #tpu.memory_space<hbm>>
    %dma_wait3A_517 = tpu.memref_slice %arg13[%dma_wait3A_510] : memref<8x!tpu.dma_semaphore, #tpu.memory_space<semaphore_mem>> -> memref<1x!tpu.dma_semaphore, #tpu.memory_space<semaphore_mem>>
    %dma_wait3A_518 = tpu.memref_squeeze %dma_wait3A_517 : memref<1x!tpu.dma_semaphore, #tpu.memory_space<semaphore_mem>> -> memref<!tpu.dma_semaphore, #tpu.memory_space<semaphore_mem>>
    %dma_wait3A_519 = arith.constant 0 : i32
    %dma_wait3A_520 = tpu.memref_slice %arg6[%add3A_330, %dma_wait3A_519] : memref<16384x128xf32, #tpu.memory_space<hbm>> -> memref<128x128xf32, #tpu.memory_space<hbm>>
    %dma_wait3A_521 = arith.constant 0 : i32
    %dma_wait3A_522 = arith.constant 0 : i32
    %dma_wait3A_523 = tpu.memref_slice %arg10[%dma_wait3A_509, %dma_wait3A_521, %dma_wait3A_522] : memref<7x128x128xf32, #tpu.memory_space<vmem>> -> memref<1x128x128xf32, #tpu.memory_space<vmem>>
    %dma_wait3A_524 = tpu.memref_squeeze %dma_wait3A_523 : memref<1x128x128xf32, #tpu.memory_space<vmem>> -> memref<128x128xf32, #tpu.memory_space<vmem>>
    tpu.wait_dma2 semaphore(%dma_wait3A_518 : memref<!tpu.dma_semaphore, #tpu.memory_space<semaphore_mem>>) src(%dma_wait3A_524 : memref<128x128xf32, #tpu.memory_space<vmem>>) dst(%dma_wait3A_520 : memref<128x128xf32, #tpu.memory_space<hbm>>)
    %dma_wait3A_525 = arith.constant 5 : i32
    %dma_wait3A_526 = arith.constant 5 : i32
    %dma_wait3A_527 = arith.constant 0 : i32
    %dma_wait3A_528 = arith.constant 0 : i32
    %dma_wait3A_529 = tpu.memref_slice %arg10[%dma_wait3A_525, %dma_wait3A_527, %dma_wait3A_528] : memref<7x128x128xf32, #tpu.memory_space<vmem>> -> memref<1x128x128xf32, #tpu.memory_space<vmem>>
    %dma_wait3A_530 = tpu.memref_squeeze %dma_wait3A_529 : memref<1x128x128xf32, #tpu.memory_space<vmem>> -> memref<128x128xf32, #tpu.memory_space<vmem>>
    %dma_wait3A_531 = arith.constant 0 : i32
    %dma_wait3A_532 = tpu.memref_slice %arg7[%add3A_363, %dma_wait3A_531] : memref<16384x128xf32, #tpu.memory_space<hbm>> -> memref<128x128xf32, #tpu.memory_space<hbm>>
    %dma_wait3A_533 = tpu.memref_slice %arg13[%dma_wait3A_526] : memref<8x!tpu.dma_semaphore, #tpu.memory_space<semaphore_mem>> -> memref<1x!tpu.dma_semaphore, #tpu.memory_space<semaphore_mem>>
    %dma_wait3A_534 = tpu.memref_squeeze %dma_wait3A_533 : memref<1x!tpu.dma_semaphore, #tpu.memory_space<semaphore_mem>> -> memref<!tpu.dma_semaphore, #tpu.memory_space<semaphore_mem>>
    %dma_wait3A_535 = arith.constant 0 : i32
    %dma_wait3A_536 = tpu.memref_slice %arg7[%add3A_363, %dma_wait3A_535] : memref<16384x128xf32, #tpu.memory_space<hbm>> -> memref<128x128xf32, #tpu.memory_space<hbm>>
    %dma_wait3A_537 = arith.constant 0 : i32
    %dma_wait3A_538 = arith.constant 0 : i32
    %dma_wait3A_539 = tpu.memref_slice %arg10[%dma_wait3A_525, %dma_wait3A_537, %dma_wait3A_538] : memref<7x128x128xf32, #tpu.memory_space<vmem>> -> memref<1x128x128xf32, #tpu.memory_space<vmem>>
    %dma_wait3A_540 = tpu.memref_squeeze %dma_wait3A_539 : memref<1x128x128xf32, #tpu.memory_space<vmem>> -> memref<128x128xf32, #tpu.memory_space<vmem>>
    tpu.wait_dma2 semaphore(%dma_wait3A_534 : memref<!tpu.dma_semaphore, #tpu.memory_space<semaphore_mem>>) src(%dma_wait3A_540 : memref<128x128xf32, #tpu.memory_space<vmem>>) dst(%dma_wait3A_536 : memref<128x128xf32, #tpu.memory_space<hbm>>)
    %dma_wait3A_541 = arith.constant 6 : i32
    %dma_wait3A_542 = arith.constant 6 : i32
    %dma_wait3A_543 = arith.constant 0 : i32
    %dma_wait3A_544 = arith.constant 0 : i32
    %dma_wait3A_545 = tpu.memref_slice %arg10[%dma_wait3A_541, %dma_wait3A_543, %dma_wait3A_544] : memref<7x128x128xf32, #tpu.memory_space<vmem>> -> memref<1x128x128xf32, #tpu.memory_space<vmem>>
    %dma_wait3A_546 = tpu.memref_squeeze %dma_wait3A_545 : memref<1x128x128xf32, #tpu.memory_space<vmem>> -> memref<128x128xf32, #tpu.memory_space<vmem>>
    %dma_wait3A_547 = arith.constant 0 : i32
    %dma_wait3A_548 = tpu.memref_slice %arg6[%add3A_396, %dma_wait3A_547] : memref<16384x128xf32, #tpu.memory_space<hbm>> -> memref<128x128xf32, #tpu.memory_space<hbm>>
    %dma_wait3A_549 = tpu.memref_slice %arg13[%dma_wait3A_542] : memref<8x!tpu.dma_semaphore, #tpu.memory_space<semaphore_mem>> -> memref<1x!tpu.dma_semaphore, #tpu.memory_space<semaphore_mem>>
    %dma_wait3A_550 = tpu.memref_squeeze %dma_wait3A_549 : memref<1x!tpu.dma_semaphore, #tpu.memory_space<semaphore_mem>> -> memref<!tpu.dma_semaphore, #tpu.memory_space<semaphore_mem>>
    %dma_wait3A_551 = arith.constant 0 : i32
    %dma_wait3A_552 = tpu.memref_slice %arg6[%add3A_396, %dma_wait3A_551] : memref<16384x128xf32, #tpu.memory_space<hbm>> -> memref<128x128xf32, #tpu.memory_space<hbm>>
    %dma_wait3A_553 = arith.constant 0 : i32
    %dma_wait3A_554 = arith.constant 0 : i32
    %dma_wait3A_555 = tpu.memref_slice %arg10[%dma_wait3A_541, %dma_wait3A_553, %dma_wait3A_554] : memref<7x128x128xf32, #tpu.memory_space<vmem>> -> memref<1x128x128xf32, #tpu.memory_space<vmem>>
    %dma_wait3A_556 = tpu.memref_squeeze %dma_wait3A_555 : memref<1x128x128xf32, #tpu.memory_space<vmem>> -> memref<128x128xf32, #tpu.memory_space<vmem>>
    tpu.wait_dma2 semaphore(%dma_wait3A_550 : memref<!tpu.dma_semaphore, #tpu.memory_space<semaphore_mem>>) src(%dma_wait3A_556 : memref<128x128xf32, #tpu.memory_space<vmem>>) dst(%dma_wait3A_552 : memref<128x128xf32, #tpu.memory_space<hbm>>)
    %dma_wait3A_557 = arith.constant 0 : i32
    %dma_wait3A_558 = arith.constant 7 : i32
    %dma_wait3A_559 = arith.constant 0 : i32
    %dma_wait3A_560 = arith.constant 0 : i32
    %dma_wait3A_561 = tpu.memref_slice %arg10[%dma_wait3A_557, %dma_wait3A_559, %dma_wait3A_560] : memref<7x128x128xf32, #tpu.memory_space<vmem>> -> memref<1x128x128xf32, #tpu.memory_space<vmem>>
    %dma_wait3A_562 = tpu.memref_squeeze %dma_wait3A_561 : memref<1x128x128xf32, #tpu.memory_space<vmem>> -> memref<128x128xf32, #tpu.memory_space<vmem>>
    %dma_wait3A_563 = arith.constant 0 : i32
    %dma_wait3A_564 = tpu.memref_slice %arg7[%add3A_429, %dma_wait3A_563] : memref<16384x128xf32, #tpu.memory_space<hbm>> -> memref<128x128xf32, #tpu.memory_space<hbm>>
    %dma_wait3A_565 = tpu.memref_slice %arg13[%dma_wait3A_558] : memref<8x!tpu.dma_semaphore, #tpu.memory_space<semaphore_mem>> -> memref<1x!tpu.dma_semaphore, #tpu.memory_space<semaphore_mem>>
    %dma_wait3A_566 = tpu.memref_squeeze %dma_wait3A_565 : memref<1x!tpu.dma_semaphore, #tpu.memory_space<semaphore_mem>> -> memref<!tpu.dma_semaphore, #tpu.memory_space<semaphore_mem>>
    %dma_wait3A_567 = arith.constant 0 : i32
    %dma_wait3A_568 = tpu.memref_slice %arg7[%add3A_429, %dma_wait3A_567] : memref<16384x128xf32, #tpu.memory_space<hbm>> -> memref<128x128xf32, #tpu.memory_space<hbm>>
    %dma_wait3A_569 = arith.constant 0 : i32
    %dma_wait3A_570 = arith.constant 0 : i32
    %dma_wait3A_571 = tpu.memref_slice %arg10[%dma_wait3A_557, %dma_wait3A_569, %dma_wait3A_570] : memref<7x128x128xf32, #tpu.memory_space<vmem>> -> memref<1x128x128xf32, #tpu.memory_space<vmem>>
    %dma_wait3A_572 = tpu.memref_squeeze %dma_wait3A_571 : memref<1x128x128xf32, #tpu.memory_space<vmem>> -> memref<128x128xf32, #tpu.memory_space<vmem>>
    tpu.wait_dma2 semaphore(%dma_wait3A_566 : memref<!tpu.dma_semaphore, #tpu.memory_space<semaphore_mem>>) src(%dma_wait3A_572 : memref<128x128xf32, #tpu.memory_space<vmem>>) dst(%dma_wait3A_568 : memref<128x128xf32, #tpu.memory_space<hbm>>)
    return
  }
}

</mosaic_0001>

<sc_bundles>
// kernel: kernel.3.cloned.1.call-start
scs
__scs_entry_jumppad:
0x0: {  	(pc) =	sbr.rel $0x88, $3  }
0x1: {  	(tag) =	ssettag $0x0;
	lr =	simm.s32 $0x1  }
0x2: {  	[smem:$0x3F9D] =	sst lr;
	_ =	strace $0xD0000000  }
0x3: {  	_ = 	snop  }
0x4: {  	_ = 	snop  }
0x5: {  	_ = 	snop  }
0x6: {  	_ = 	snop  }
0x7: {  	_ = 	snop  }
__scs_overlays_trampoline_lowered:
0x8: {  	[smem:$0x3FAC] =	sst s0  }
0x9: {  	[smem:$0x3FAD] =	sst s1  }
0xa: {  	[smem:$0x3FAE] =	sst s2  }
0xb: {  	[smem:$0x3FAF] =	sst s3  }
0xc: {  	[smem:$0x3FB0] =	sst s4  }
0xd: {  	[smem:$0x3FB1] =	sst s5  }
0xe: {  	[smem:$0x3FB2] =	sst s6  }
0xf: {  	[smem:$0x3FB3] =	sst s7  }
0x10: {  	[smem:$0x3FB4] =	sst s8  }
0x11: {  	[smem:$0x3FB5] =	sst s9;
	s0 =	simm.s32 @!p0 $0x0  }
0x12: {  	s1 =	sld [smem:$0x3F9B];
	s0 =	simm.s32 @p0 $0x1  }
0x13: {  	[smem:$0x3FB6] =	sst s0;
	s0 =	simm.s32 @!p1 $0x0  }
0x14: {  	s2 =	sld [smem:$0x3F9A];
	s0 =	simm.s32 @p1 $0x1  }
0x15: {  	[smem:$0x3FB7] =	sst s0;
	s0 =	simm.s32 @!p2 $0x0  }
0x16: {  	s3 =	sld [smem:$0x3FDB];
	s0 =	simm.s32 @p2 $0x1  }
0x17: {  	s4 =	simm.s32 $0x1BF5;
	[smem:$0x3FB9] =	sst s0  }
0x18: {  	s0 =	sld [smem:$0x3F9C];
	_ =	swait.ge [sflag:s4], $0x0  }
0x19: {  	s7 =	sld [smem:$0x3F9D]  }
0x1a: {  	s8 =	sadd.s32 $0xFFFFE003, lr  }
0x1b: {  	s9 =	sadd.s32 $0xFFFFFEF7, lr;
	s5 =	simm.s32 $0xFFFFFFFF;
	p2 =	slt.u32 s8, $0xFFFFF086  }
0x1c: {  	p1 =	slt.u32 s9, $0xF7A;
	s5 =	simm.s32 @!p2 $0x0  }
0x1d: {  	s5 =	simm.s32 @p1 $0x1;
	p0 =	seq.s32 s7, s2  }
0x1e: {  	s7 =	smul.u32 @!p0 $0xF7A, s2;
	p2 =	seq.s32 @!p0 s5, $0x0  }
0x1f: {  	s9 =	smul.u32 $0xF7A, s1;
	s8 =	simm.s32 @!p0 $0x1BF5;
	p2 =	por !p2, p0  }
0x20: {  	[sflag:s8] =	ssyncset.s32 @!p0 $0xFFFFF086;
	s6 =	sadd.s32 @!p0 s3, s7;
	s7 =	simm.s32 @!p0 $0x108  }
0x21: {  	s3 =	sadd.s32 s3, s9;
	s6 =	sadd.s32 @!p0 $0x88, s6;
	s7 =	simm.s32 @p2 $0x1082  }
0x22: {  	[simem:s7], [sflag:s8] =	dma.local @!p0 [hbm:s6], $0xF7A  }
0x23: {  	s9 =	sor.u32 $0xD0000000, s2;
	s6 =	simm.s32 $0x108;
	_ =	swait.ge @!p0 [sflag:s8], $0x0  }
0x24: {  	s3 =	sadd.s32 $0x88, s3;
	s6 =	simm.s32 @!p1 $0x1082;
	[sflag:s4] =	ssyncset.s32 $0xFFFFF086  }
0x25: {  	[simem:s6], [sflag:s4] =	dma.local [hbm:s3], $0xF7A  }
0x26: {  	[smem:$0x3F9D] =	sst s1;
	(tag) =	ssettag s2;
	_ =	strace s9  }
0x27: {  	s1 =	sld [smem:$0x3FAD]  }
0x28: {  	s2 =	sld [smem:$0x3FAE]  }
0x29: {  	s4 =	sld [smem:$0x3FB0]  }
0x2a: {  	p0 =	seq.s32 s5, $0x0;
	s5 =	sld [smem:$0x3FB1]  }
0x2b: {  	s6 =	sld [smem:$0x3FB2]  }
0x2c: {  	s7 =	sld [smem:$0x3FB3]  }
0x2d: {  	s3 =	simm.s32 $0x108;
	s8 =	sld [smem:$0x3FB4]  }
0x2e: {  	s3 =	simm.s32 @!p0 $0x1082;
	s9 =	sld [smem:$0x3FB5]  }
0x2f: {  	lr =	sadd.s32 s0, s3;
	s0 =	sld [smem:$0x3FAC]  }
0x30: {  	s3 =	sld [smem:$0x3FAF]  }
0x31: {  	[smem:$0x3FB8] =	sst s10  }
0x32: {  	s10 =	sld [smem:$0x3FB6];
	_ =	sdelay $0x3  }
0x33: {  	p0 =	seq.s32 s10, $0x1;
	s10 =	sld [smem:$0x3FB8];
	_ =	sdelay $0x3  }
0x34: {  	[smem:$0x3FB8] =	sst s10  }
0x35: {  	s10 =	sld [smem:$0x3FB7];
	_ =	sdelay $0x3  }
0x36: {  	p1 =	seq.s32 s10, $0x1;
	s10 =	sld [smem:$0x3FB8];
	_ =	sdelay $0x3  }
0x37: {  	[smem:$0x3FB8] =	sst s10  }
0x38: {  	s10 =	sld [smem:$0x3FB9]  }
0x39: {  	_ = 	snop;
	(pc) =	sbr.ind lr, $3  }
0x3a: {  	_ = 	snop  }
0x3b: {  	_ = 	snop  }
0x3c: {  	p2 =	seq.s32 s10, $0x1;
	s10 =	sld [smem:$0x3FB8]  }
0x3d: {  	_ =	shalt  }
0x3e: {  	_ =	shalt  }
0x3f: {  	_ =	shalt  }
0x40: {  	_ =	shalt  }
0x41: {  	_ =	shalt  }
0x42: {  	_ =	shalt  }
0x43: {  	_ =	shalt  }
0x44: {  	_ =	shalt  }
0x45: {  	_ =	shalt  }
0x46: {  	_ =	shalt  }
0x47: {  	_ =	shalt  }
0x48: {  	_ =	shalt  }
0x49: {  	_ =	shalt  }
0x4a: {  	_ =	shalt  }
0x4b: {  	_ =	shalt  }
0x4c: {  	_ =	shalt  }
0x4d: {  	_ =	shalt  }
0x4e: {  	_ =	shalt  }
0x4f: {  	_ =	shalt  }
0x50: {  	_ =	shalt  }
0x51: {  	_ =	shalt  }
0x52: {  	_ =	shalt  }
0x53: {  	_ =	shalt  }
0x54: {  	_ =	shalt  }
0x55: {  	_ =	shalt  }
0x56: {  	_ =	shalt  }
0x57: {  	_ =	shalt  }
0x58: {  	_ =	shalt  }
0x59: {  	_ =	shalt  }
0x5a: {  	_ =	shalt  }
0x5b: {  	_ =	shalt  }
0x5c: {  	_ =	shalt  }
0x5d: {  	_ =	shalt  }
0x5e: {  	_ =	shalt  }
0x5f: {  	_ =	shalt  }
0x60: {  	_ =	shalt  }
0x61: {  	_ =	shalt  }
0x62: {  	_ =	shalt  }
0x63: {  	_ =	shalt  }
0x64: {  	_ =	shalt  }
0x65: {  	_ =	shalt  }
0x66: {  	_ =	shalt  }
0x67: {  	_ =	shalt  }
0x68: {  	_ =	shalt  }
0x69: {  	_ =	shalt  }
0x6a: {  	_ =	shalt  }
0x6b: {  	_ =	shalt  }
0x6c: {  	_ =	shalt  }
0x6d: {  	_ =	shalt  }
0x6e: {  	_ =	shalt  }
0x6f: {  	_ =	shalt  }
0x70: {  	_ =	shalt  }
0x71: {  	_ =	shalt  }
0x72: {  	_ =	shalt  }
0x73: {  	_ =	shalt  }
0x74: {  	_ =	shalt  }
0x75: {  	_ =	shalt  }
0x76: {  	_ =	shalt  }
0x77: {  	_ =	shalt  }
0x78: {  	_ =	shalt  }
0x79: {  	_ =	shalt  }
0x7a: {  	_ =	shalt  }
0x7b: {  	_ =	shalt  }
0x7c: {  	_ =	shalt  }
0x7d: {  	_ =	shalt  }
0x7e: {  	_ =	shalt  }
0x7f: {  	_ =	shalt  }
0x80: {  	_ =	shalt  }
0x81: {  	_ =	shalt  }
0x82: {  	_ =	shalt  }
0x83: {  	_ =	shalt  }
0x84: {  	_ =	shalt  }
0x85: {  	_ =	shalt  }
0x86: {  	_ =	shalt  }
0x87: {  	_ =	shalt  }
.Lfunc_end0:
.L_simem_size_0:
called_computation_lowered:
.L_overlay_start_0:
0x88: {  	s2 =	sld [smem:$0x3FD9]  }
0x89: {  	s3 =	sld [smem:$0x3FFE];
	_ =	sdelay $0x1  }
0x8a: {  	s1 =	srdreg.scid  }
0x8b: {  	s0 =	sand.u32 $0x1, s1  }
0x8c: {  	s15 =	sshll.u32 s0, $0xA;
	s2 =	sadd.s32 s3, s2  }
0x8d: {  	s2 =	sadd.s32 s2, s15  }
0x8e: {  	[smem:$0x3FC4] =	sst s2  }
0x8f: {  	_ = 	snop  }
0x90: {  	s2 =	sld [smem:$0x3FC9]  }
0x91: {  	s16 =	sld [smem:$0x3FD0]  }
0x92: {  	s4 =	sld [smem:$0x3FC8]  }
0x93: {  	s5 =	sld [smem:$0x3FC7]  }
0x94: {  	s7 =	simm.s32 $0xA;
	s8 =	simm.s32 $0x10;
	s6 =	sld [smem:$0x3FC6]  }
0x95: {  	[smem:s8], [sflag:s7] =	dma.local [hbm:s16], $0x1  }
0x96: {  	_ =	swait.eq [sflag:s7], $0x1  }
0x97: {  	[sflag:s7] =	ssyncset.done $0x0  }
0x98: {  	s17 =	sld [smem:$0x10];
	[sflag:s7] =	ssyncadd.s32 $0xFFFFFFFF  }
0x99: {  	s18 =	sld [smem:$0x11];
	(tm) =	ssettm $0x1  }
0x9a: {  	s19 =	sld [smem:$0x3FFB];
	_ =	sdelay $0x3  }
0x9b: {  	_ =	strace s19  }
0x9c: {  	s8 =	sld [smem:$0x3FFC];
	_ =	sdelay $0x3  }
0x9d: {  	_ =	strace s8  }
0x9e: {  	s8 =	sld [smem:$0x3FFD];
	_ =	sdelay $0x3  }
0x9f: {  	_ =	strace s8  }
0xa0: {  	_ =	strace $0x8FFFFFFF  }
0xa1: {  	s20 =	sld [smem:$0x3FDB];
	_ =	sdelay $0x1  }
0xa2: {  	s9 =	simm.s32 $_scs_section_size  }
0xa3: {  	s10 =	simm.s32 $_size__tile_overlayer_lowered;
	s11 =	simm.s32 $_tile_overlayer_lowered  }
0xa4: {  	s23 =	simm.s32 $0x1BFF;
	s22 =	sshll.u32 s11, $0x1;
	s8 =	sadd.s32 s9, s20  }
0xa5: {  	s12 =	simm.s32 $0x0;
	s21 =	sshll.u32 s10, $0x1;
	s10 =	sadd.s32 s22, s8  }
0xa6: {  	[timem:s12], [sflag:s23] =	dma.local [hbm:s10], s21  }
0xa7: {  	_ =	swait.ge [sflag:s23], s21  }
0xa8: {  	s9 =	ssub.s32 $0x0, s21;
	[sflag:s23] =	ssyncset.done $0x0  }
0xa9: {  	[sflag:s23] =	ssyncadd.s32 s9;
	_ =	sdelay $0x1  }
0xaa: {  	s24 =	simm.s32 $0x1B8B  }
0xab: {  	_ =	swait.ge [sflag:s24], $0x1  }
0xac: {  	[sflag:s24] =	ssyncset.done $0x0  }
0xad: {  	s25 =	simm.s32 $0x1B8E;
	[sflag:s24] =	ssyncadd.s32 $0xFFFFFFFF  }
0xae: {  	s26 =	simm.s32 $execute0_lowered;
	[smem:$0x3FD2] =	sst s25  }
0xaf: {  	s9 =	sshll.u32 s26, $0x1;
	_ =	strace $0x80000046;
	[dreg:$0x1] =	wrdreg $0xFFFFFFFF  }
0xb0: {  	s28 =	simm.s32 $_size_execute0_lowered;
	s8 =	sadd.s32 s8, s9;
	[dreg:$0x0] =	wrdreg $0x0  }
0xb1: {  	s9 =	sshll.u32 s28, $0x1;
	[dreg:$0x2] =	wrdreg s8  }
0xb2: {  	[dreg:$0x3] =	wrdreg s9  }
0xb3: {  	[dreg:$0x4] =	wrdreg $0xC0  }
0xb4: {  	_ =	task [dreg:s12], $0x5FFFF  }
0xb5: {  	[dreg:$0x1] =	wrdreg $0xFFFFFFFF  }
0xb6: {  	[dreg:$0x0] =	wrdreg $0x60  }
0xb7: {  	[dreg:$0x2] =	wrdreg s2  }
0xb8: {  	[dreg:$0x3] =	wrdreg s4  }
0xb9: {  	[dreg:$0x4] =	wrdreg s5  }
0xba: {  	[dreg:$0x5] =	wrdreg s6  }
0xbb: {  	[dreg:$0x6] =	wrdreg s17  }
0xbc: {  	[dreg:$0x7] =	wrdreg s18  }
0xbd: {  	[dreg:$0x8] =	wrdreg $0x9  }
0xbe: {  	_ =	task.clear_ibuf [dreg:s12], $0x9FFFF;
	_ =	strace $0x90000046  }
0xbf: {  	s29 =	simm.s32 $0x9;
	_ =	strace $0x80000048  }
0xc0: {  	_ =	swait.ge [sflag:s29], $0x1  }
0xc1: {  	[sflag:s29] =	ssyncadd.s32 $0xFFFFFFFF  }
0xc2: {  	_ =	strace $0x90000048  }
0xc3: {  	_ =	sfence  }
0xc4: {  	s30 =	sld [smem:$0x0];
	_ =	sdelay $0x2  }
0xc5: {  	s31 =	sshll.u32 s1, $0xD;
	s1 =	sshrl.u32 s1, $0x2  }
0xc6: {  	s3 =	sand.u32 $0x4000, s31;
	s1 =	sadd.s32 s1, s30  }
0xc7: {  	s0 =	sor.u32 s3, s0;
	s1 =	sshll.u32 s1, $0x11  }
0xc8: {  	s0 =	sor.u32 s1, s0  }
0xc9: {  	s0 =	sadd.s32 $0x8F2B, s0  }
0xca: {  	[sflag:s0] =	ssyncadd.remote.s32 $0x1  }
0xcb: {  	_ =	sfence.sel $0xFFFF  }
0xcc: {  	[dreg:$0x0] =	wrdreg $0xFFFFFFFF;
	(pc) =	sbr.abs _section_cstart, $3  }
0xcd: {  	[dreg:$0x1] =	wrdreg $0xFFFFFFFF  }
0xce: {  	_ =	task.clear_ibuf [dreg:s12], $0x2FFFF;
	_ =	strace $0x9FFFFFFF  }
0xcf: {  	(tm) =	ssettm $0x7FFFFFFF  }
tec
execute0_lowered:
.L_overlay_start_1:
0x0: {  	(tag) =	ssettag $0x1  }
0x1: {  	s0 =	rddreg [dreg:$0x0]  }
0x2: {  	s1 =	rddreg [dreg:$0x1]  }
0x3: {  	s4 =	rddreg [dreg:$0x2]  }
0x4: {  	s3 =	rddreg [dreg:$0x3];
	s2 =	srdreg.scid  }
0x5: {  	s5 =	rddreg [dreg:$0x4];
	s11 =	stileid.u32  }
0x6: {  	s7 =	rddreg [dreg:$0x5];
	s31 =	simm.s32 $0x1;
	s30 =	simm.s32 $0x2  }
0x7: {  	s21 =	simm.s32 $0x80;
	s22 =	simm.s32 $0x280;
	s23 =	simm.s32 $0x100  }
0x8: {  	s24 =	simm.s32 $0x300;
	s29 =	simm.s32 $0xB;
	s28 =	simm.s32 $0x4  }
0x9: {  	p0 =	por $0x0, $0x0;
	s6 =	sand.u32 $0x1, s2;
	s2 =	simm.s32 $0x0  }
0xa: {  	s8 =	sshll.u32 s11, $0xA;
	s9 =	sshll.u32 s6, $0x9;
	[smem:$0x7FF] =	sst s2  }
0xb: {  	s6 =	ssub.s32 $0x2, s6;
	_ =	strace $0x80000047;
	[dreg:$0x11] =	wrdreg s22  }
0xc: {  	s8 =	sor.u32 s9, s8;
	s17 =	sshrl.u32 s6, $0x1;
	[dreg:$0x12] =	wrdreg s23  }
0xd: {  	[dreg:$0x13] =	wrdreg s24;
	s24 =	simm.s32 $0x6;
	s23 =	simm.s32 $0x7  }
0xe: {  	s22 =	simm.s32 $0x8;
	s9 =	sshrl.u32 s8, $0x3;
	s26 =	sshll.u32 s8, $0x4  }
0xf: {  	s19 =	ssub.s32 s6, s17;
	s17 =	simm.s32 $0xC;
	s0 =	sadd.s32 s0, s9  }
0x10: {  	s25 =	sadd.s32 s1, s9;
	s8 =	sadd.s32 s5, s26;
	[dreg:$0x7] =	wrdreg s0  }
0x11: {  	s9 =	sadd.s32 s7, s26;
	s13 =	sor.u32 $0x1000, s26;
	[dreg:$0x8] =	wrdreg s25  }
0x12: {  	s1 =	sor.u32 $0x1800, s26;
	s20 =	smax.u32 s19, $0x1;
	[dreg:$0x9] =	wrdreg s8  }
0x13: {  	s19 =	simm.s32 $0x9;
	s8 =	sor.u32 $0x800, s26;
	[dreg:$0xa] =	wrdreg s9  }
0x14: {  	s14 =	sadd.s32 s5, s13;
	s15 =	sadd.s32 s7, s13;
	s16 =	sadd.s32 s5, s1  }
0x15: {  	s18 =	sadd.s32 s7, s1;
	s25 =	simm.s32 $0x180;
	[dreg:$0xd] =	wrdreg s14  }
0x16: {  	s26 =	simm.s32 $0x380;
	s1 =	simm.s32 $0x3;
	[dreg:$0xe] =	wrdreg s15  }
0x17: {  	p1 =	sne.s32 s20, $0x1;
	s6 =	sadd.s32 $0xFFFFFFFF, s20;
	[dreg:$0xf] =	wrdreg s16  }
0x18: {  	s10 =	sadd.s32 s5, s8;
	s12 =	sadd.s32 s7, s8;
	[dreg:$0x10] =	wrdreg s18  }
.Ltmp0:
0x19: {  	s5 =	simm.s32 $0x400;
	[dreg:$0x14] =	wrdreg s25;
	(pc) =	sbr.rel @!p1 .LBB2_5-.Ltmp0, $4  }
0x1a: {  	[dreg:$0x15] =	wrdreg s26;
	s25 =	simm.s32 $0x5;
	s16 =	simm.s32 $0xA  }
0x1b: {  	s14 =	simm.s32 $0xD;
	s8 =	simm.s32 $0x10;
	s9 =	rddreg [dreg:$0x7]  }
0x1c: {  	s7 =	simm.s32 $0x11;
	s18 =	simm.s32 $0x12;
	[dreg:$0xb] =	wrdreg s10  }
0x1d: {  	[dreg:$0xc] =	wrdreg s12;
	s12 =	simm.s32 $0xE;
	s10 =	simm.s32 $0xF  }
0x1e: {  	[tilespmem:s2], [sflag:$0x1] =	stream.linear.gather [hbm4b:s9+s2], $0x200, $0x38;
	[tilespmem:$0x1C400] =	vst v63  }
0x1f: {  	s0 =	rddreg [dreg:$0x8];
	s26 =	simm.s32 $0x200  }
0x20: {  	[tilespmem:s26], [sflag:$0x2] =	stream.linear.gather [hbm4b:s0+s2], $0x200, $0x38;
	[tilespmem:$0x1C400] =	vst v63  }
0x21: {  	_ =	swait.ge [sflag:s31], $0x200  }
0x22: {  	[sflag:s31] =	ssyncset.done $0x0  }
0x23: {  	[sflag:s31] =	ssyncadd.s32 $0xFFFFFE00  }
0x24: {  	_ =	swait.ge [sflag:s30], $0x200  }
0x25: {  	[sflag:s30] =	ssyncset.done $0x0  }
0x26: {  	[sflag:s30] =	ssyncadd.s32 $0xFFFFFE00  }
0x27: {  	[tilespmem:s5], [sflag:$0x3] =	stream.indirect.gather [hbm4b:s4+s21], $0x80, s2, s21, $0xb8;
	[tilespmem:$0x1C400] =	vst v63  }
0x28: {  	s11 =	simm.s32 $0x4400  }
0x29: {  	[tilespmem:s11], [sflag:$0x4] =	stream.indirect.gather [hbm4b:s3+s21], $0x80, s26, s21, $0xb8;
	[tilespmem:$0x1C400] =	vst v63  }
0x2a: {  	s26 =	simm.s32 $0x8400  }
0x2b: {  	[tilespmem:s26], [sflag:$0x5] =	stream.indirect.gather [hbm4b:s4+s21], $0x80, s21, s21, $0xb8;
	[tilespmem:$0x1C400] =	vst v63  }
0x2c: {  	s20 =	simm.s32 $0xC400;
	s9 =	rddreg [dreg:$0x11]  }
0x2d: {  	[tilespmem:s20], [sflag:$0x6] =	stream.indirect.gather [hbm4b:s3+s21], $0x80, s9, s21, $0xb8;
	[tilespmem:$0x1C400] =	vst v63  }
0x2e: {  	s15 =	simm.s32 $0x10400;
	s13 =	rddreg [dreg:$0x12]  }
0x2f: {  	[tilespmem:s15], [sflag:$0x7] =	stream.indirect.gather [hbm4b:s4+s21], $0x80, s13, s21, $0xb8;
	[tilespmem:$0x1C400] =	vst v63  }
0x30: {  	s0 =	rddreg [dreg:$0x13];
	s13 =	simm.s32 $0x14400  }
0x31: {  	[tilespmem:s13], [sflag:$0x8] =	stream.indirect.gather [hbm4b:s3+s21], $0x80, s0, s21, $0xb8;
	[tilespmem:$0x1C400] =	vst v63  }
0x32: {  	s9 =	rddreg [dreg:$0x14];
	s0 =	simm.s32 $0x18400  }
0x33: {  	[tilespmem:s0], [sflag:$0x9] =	stream.indirect.gather [hbm4b:s4+s21], $0x80, s9, s21, $0xb8;
	[tilespmem:$0x1C400] =	vst v63  }
0x34: {  	_ =	swait.ge [sflag:s1], $0x4000  }
0x35: {  	[sflag:s1] =	ssyncset.done $0x0  }
0x36: {  	s0 =	rddreg [dreg:$0x9];
	[sflag:s1] =	ssyncadd.s32 $0xFFFFC000  }
0x37: {  	[hbm4b:s0+s2] =	stream.linear.scatter [tilespmem:s5], [sflag:$0xB], $0x4000, $0x38;
	[tilespmem:$0x1C400] =	vst v63  }
0x38: {  	_ =	swait.ge [sflag:s29], $0x4000  }
0x39: {  	[sflag:s29] =	ssyncset.done $0x0  }
0x3a: {  	s0 =	rddreg [dreg:$0x15];
	[sflag:s29] =	ssyncadd.s32 $0xFFFFC000  }
0x3b: {  	[tilespmem:s5], [sflag:$0xA] =	stream.indirect.gather [hbm4b:s3+s21], $0x80, s0, s21, $0xb8;
	[tilespmem:$0x1C400] =	vst v63  }
0x3c: {  	_ =	swait.ge [sflag:s28], $0x4000  }
0x3d: {  	[sflag:s28] =	ssyncset.done $0x0  }
0x3e: {  	s0 =	rddreg [dreg:$0xa];
	[sflag:s28] =	ssyncadd.s32 $0xFFFFC000  }
0x3f: {  	[hbm4b:s0+s2] =	stream.linear.scatter [tilespmem:s11], [sflag:$0xC], $0x4000, $0x38;
	[tilespmem:$0x1C400] =	vst v63  }
0x40: {  	_ =	swait.ge [sflag:s25], $0x4000  }
0x41: {  	[sflag:s25] =	ssyncset.done $0x0  }
0x42: {  	s11 =	rddreg [dreg:$0xb];
	[sflag:s25] =	ssyncadd.s32 $0xFFFFC000  }
0x43: {  	[hbm4b:s11+s2] =	stream.linear.scatter [tilespmem:s26], [sflag:$0xD], $0x4000, $0x38;
	[tilespmem:$0x1C400] =	vst v63  }
0x44: {  	_ =	swait.ge [sflag:s24], $0x4000  }
0x45: {  	[sflag:s24] =	ssyncset.done $0x0  }
0x46: {  	s26 =	rddreg [dreg:$0xc];
	[sflag:s24] =	ssyncadd.s32 $0xFFFFC000  }
0x47: {  	[hbm4b:s26+s2] =	stream.linear.scatter [tilespmem:s20], [sflag:$0xE], $0x4000, $0x38;
	[tilespmem:$0x1C400] =	vst v63  }
0x48: {  	_ =	swait.ge [sflag:s23], $0x4000  }
0x49: {  	[sflag:s23] =	ssyncset.done $0x0  }
0x4a: {  	s11 =	rddreg [dreg:$0xd];
	[sflag:s23] =	ssyncadd.s32 $0xFFFFC000  }
0x4b: {  	[hbm4b:s11+s2] =	stream.linear.scatter [tilespmem:s15], [sflag:$0xF], $0x4000, $0x38;
	[tilespmem:$0x1C400] =	vst v63  }
0x4c: {  	_ =	swait.ge [sflag:s22], $0x4000  }
0x4d: {  	[sflag:s22] =	ssyncset.done $0x0  }
0x4e: {  	s15 =	rddreg [dreg:$0xe];
	[sflag:s22] =	ssyncadd.s32 $0xFFFFC000  }
0x4f: {  	[hbm4b:s15+s2] =	stream.linear.scatter [tilespmem:s13], [sflag:$0x10], $0x4000, $0x38;
	[tilespmem:$0x1C400] =	vst v63  }
0x50: {  	_ =	swait.ge [sflag:s19], $0x4000  }
0x51: {  	[sflag:s19] =	ssyncset.done $0x0  }
0x52: {  	s9 =	simm.s32 $0x18400;
	s20 =	rddreg [dreg:$0xf];
	[sflag:s19] =	ssyncadd.s32 $0xFFFFC000  }
0x53: {  	[hbm4b:s20+s2] =	stream.linear.scatter [tilespmem:s9], [sflag:$0x11], $0x4000, $0x38;
	[tilespmem:$0x1C400] =	vst v63  }
0x54: {  	_ =	swait.ge [sflag:s16], $0x4000  }
0x55: {  	[sflag:s16] =	ssyncset.done $0x0  }
0x56: {  	s26 =	rddreg [dreg:$0x10];
	[sflag:s16] =	ssyncadd.s32 $0xFFFFC000  }
0x57: {  	[hbm4b:s26+s2] =	stream.linear.scatter [tilespmem:s5], [sflag:$0x12], $0x4000, $0x38;
	[tilespmem:$0x1C400] =	vst v63  }
0x58: {  	_ =	swait.ge [sflag:s17], $0x4000  }
0x59: {  	[sflag:s17] =	ssyncset.done $0x0  }
0x5a: {  	[sflag:s17] =	ssyncadd.s32 $0xFFFFC000  }
0x5b: {  	_ =	swait.ge [sflag:s14], $0x4000  }
0x5c: {  	[sflag:s14] =	ssyncset.done $0x0  }
0x5d: {  	[sflag:s14] =	ssyncadd.s32 $0xFFFFC000  }
0x5e: {  	_ =	swait.ge [sflag:s12], $0x4000  }
0x5f: {  	[sflag:s12] =	ssyncset.done $0x0  }
0x60: {  	[sflag:s12] =	ssyncadd.s32 $0xFFFFC000  }
0x61: {  	_ =	swait.ge [sflag:s10], $0x4000  }
0x62: {  	[sflag:s10] =	ssyncset.done $0x0  }
0x63: {  	[sflag:s10] =	ssyncadd.s32 $0xFFFFC000  }
0x64: {  	_ =	swait.ge [sflag:s8], $0x4000  }
0x65: {  	[sflag:s8] =	ssyncset.done $0x0  }
0x66: {  	p1 =	sne.s32 s6, $0x1;
	[sflag:s8] =	ssyncadd.s32 $0xFFFFC000  }
.Ltmp1:
0x67: {  	_ =	swait.ge [sflag:s7], $0x4000;
	(pc) =	sbr.rel @!p1 .LBB2_6-.Ltmp1, $4  }
0x68: {  	[sflag:s7] =	ssyncset.done $0x0  }
0x69: {  	[sflag:s7] =	ssyncadd.s32 $0xFFFFC000  }
0x6a: {  	p0 =	por $0x1, $0x1;
	_ =	swait.ge [sflag:s18], $0x4000  }
0x6b: {  	s0 =	sadd.s32 $0xFFFFFFFF, s6;
	s9 =	rddreg [dreg:$0x7];
	[sflag:s18] =	ssyncset.done $0x0  }
0x6c: {  	s26 =	simm.s32 $0x4400;
	s20 =	simm.s32 $0x8400  }
0x6d: {  	s15 =	simm.s32 $0x10400;
	s13 =	simm.s32 $0x14400;
	s6 =	simm.s32 $0x18400  }
.LBB2_3:
0x6e: {  	[sflag:s18] =	ssyncadd.s32 $0xFFFFC000  }
0x6f: {  	[tilespmem:s2], [sflag:$0x1] =	stream.linear.gather [hbm4b:s9+s2], $0x200, $0x38;
	[tilespmem:$0x1C400] =	vst v63  }
0x70: {  	s11 =	rddreg [dreg:$0x8];
	s18 =	simm.s32 $0x200  }
0x71: {  	[tilespmem:s18], [sflag:$0x2] =	stream.linear.gather [hbm4b:s11+s2], $0x200, $0x38;
	[tilespmem:$0x1C400] =	vst v63  }
0x72: {  	_ =	swait.ge [sflag:s31], $0x200  }
0x73: {  	[sflag:s31] =	ssyncset.done $0x0  }
0x74: {  	[sflag:s31] =	ssyncadd.s32 $0xFFFFFE00  }
0x75: {  	_ =	swait.ge [sflag:s30], $0x200  }
0x76: {  	[sflag:s30] =	ssyncset.done $0x0  }
0x77: {  	[sflag:s30] =	ssyncadd.s32 $0xFFFFFE00  }
0x78: {  	[tilespmem:s5], [sflag:$0x3] =	stream.indirect.gather [hbm4b:s4+s21], $0x80, s2, s21, $0xb8;
	[tilespmem:$0x1C400] =	vst v63  }
0x79: {  	_ = 	snop  }
0x7a: {  	[tilespmem:s26], [sflag:$0x4] =	stream.indirect.gather [hbm4b:s3+s21], $0x80, s18, s21, $0xb8;
	[tilespmem:$0x1C400] =	vst v63  }
0x7b: {  	_ = 	snop  }
0x7c: {  	[tilespmem:s20], [sflag:$0x5] =	stream.indirect.gather [hbm4b:s4+s21], $0x80, s21, s21, $0xb8;
	[tilespmem:$0x1C400] =	vst v63  }
0x7d: {  	s9 =	rddreg [dreg:$0x11];
	s18 =	simm.s32 $0xC400  }
0x7e: {  	[tilespmem:s18], [sflag:$0x6] =	stream.indirect.gather [hbm4b:s3+s21], $0x80, s9, s21, $0xb8;
	[tilespmem:$0x1C400] =	vst v63  }
0x7f: {  	s11 =	rddreg [dreg:$0x12]  }
0x80: {  	[tilespmem:s15], [sflag:$0x7] =	stream.indirect.gather [hbm4b:s4+s21], $0x80, s11, s21, $0xb8;
	[tilespmem:$0x1C400] =	vst v63  }
0x81: {  	s9 =	rddreg [dreg:$0x13]  }
0x82: {  	[tilespmem:s13], [sflag:$0x8] =	stream.indirect.gather [hbm4b:s3+s21], $0x80, s9, s21, $0xb8;
	[tilespmem:$0x1C400] =	vst v63  }
0x83: {  	s11 =	rddreg [dreg:$0x14]  }
0x84: {  	[tilespmem:s6], [sflag:$0x9] =	stream.indirect.gather [hbm4b:s4+s21], $0x80, s11, s21, $0xb8;
	[tilespmem:$0x1C400] =	vst v63  }
0x85: {  	_ =	swait.ge [sflag:s1], $0x4000  }
0x86: {  	[sflag:s1] =	ssyncset.done $0x0  }
0x87: {  	s11 =	rddreg [dreg:$0x9];
	[sflag:s1] =	ssyncadd.s32 $0xFFFFC000  }
0x88: {  	[hbm4b:s11+s2] =	stream.linear.scatter [tilespmem:s5], [sflag:$0xB], $0x4000, $0x38;
	[tilespmem:$0x1C400] =	vst v63  }
0x89: {  	_ =	swait.ge [sflag:s29], $0x4000  }
0x8a: {  	[sflag:s29] =	ssyncset.done $0x0  }
0x8b: {  	s11 =	rddreg [dreg:$0x15];
	[sflag:s29] =	ssyncadd.s32 $0xFFFFC000  }
0x8c: {  	[tilespmem:s5], [sflag:$0xA] =	stream.indirect.gather [hbm4b:s3+s21], $0x80, s11, s21, $0xb8;
	[tilespmem:$0x1C400] =	vst v63  }
0x8d: {  	_ =	swait.ge [sflag:s28], $0x4000  }
0x8e: {  	[sflag:s28] =	ssyncset.done $0x0  }
0x8f: {  	s11 =	rddreg [dreg:$0xa];
	[sflag:s28] =	ssyncadd.s32 $0xFFFFC000  }
0x90: {  	[hbm4b:s11+s2] =	stream.linear.scatter [tilespmem:s26], [sflag:$0xC], $0x4000, $0x38;
	[tilespmem:$0x1C400] =	vst v63  }
0x91: {  	_ =	swait.ge [sflag:s25], $0x4000  }
0x92: {  	[sflag:s25] =	ssyncset.done $0x0  }
0x93: {  	s11 =	rddreg [dreg:$0xb];
	[sflag:s25] =	ssyncadd.s32 $0xFFFFC000  }
0x94: {  	[hbm4b:s11+s2] =	stream.linear.scatter [tilespmem:s20], [sflag:$0xD], $0x4000, $0x38;
	[tilespmem:$0x1C400] =	vst v63  }
0x95: {  	_ =	swait.ge [sflag:s24], $0x4000  }
0x96: {  	[sflag:s24] =	ssyncset.done $0x0  }
0x97: {  	s11 =	rddreg [dreg:$0xc];
	[sflag:s24] =	ssyncadd.s32 $0xFFFFC000  }
0x98: {  	[hbm4b:s11+s2] =	stream.linear.scatter [tilespmem:s18], [sflag:$0xE], $0x4000, $0x38;
	[tilespmem:$0x1C400] =	vst v63  }
0x99: {  	_ =	swait.ge [sflag:s23], $0x4000  }
0x9a: {  	[sflag:s23] =	ssyncset.done $0x0  }
0x9b: {  	s11 =	rddreg [dreg:$0xd];
	[sflag:s23] =	ssyncadd.s32 $0xFFFFC000  }
0x9c: {  	[hbm4b:s11+s2] =	stream.linear.scatter [tilespmem:s15], [sflag:$0xF], $0x4000, $0x38;
	[tilespmem:$0x1C400] =	vst v63  }
0x9d: {  	_ =	swait.ge [sflag:s22], $0x4000  }
0x9e: {  	[sflag:s22] =	ssyncset.done $0x0  }
0x9f: {  	s11 =	rddreg [dreg:$0xe];
	[sflag:s22] =	ssyncadd.s32 $0xFFFFC000  }
0xa0: {  	[hbm4b:s11+s2] =	stream.linear.scatter [tilespmem:s13], [sflag:$0x10], $0x4000, $0x38;
	[tilespmem:$0x1C400] =	vst v63  }
0xa1: {  	_ =	swait.ge [sflag:s19], $0x4000  }
0xa2: {  	[sflag:s19] =	ssyncset.done $0x0  }
0xa3: {  	s11 =	rddreg [dreg:$0xf];
	[sflag:s19] =	ssyncadd.s32 $0xFFFFC000  }
0xa4: {  	[hbm4b:s11+s2] =	stream.linear.scatter [tilespmem:s6], [sflag:$0x11], $0x4000, $0x38;
	[tilespmem:$0x1C400] =	vst v63  }
0xa5: {  	_ =	swait.ge [sflag:s16], $0x4000  }
0xa6: {  	[sflag:s16] =	ssyncset.done $0x0  }
0xa7: {  	s11 =	rddreg [dreg:$0x10];
	[sflag:s16] =	ssyncadd.s32 $0xFFFFC000  }
0xa8: {  	[hbm4b:s11+s2] =	stream.linear.scatter [tilespmem:s5], [sflag:$0x12], $0x4000, $0x38;
	[tilespmem:$0x1C400] =	vst v63  }
0xa9: {  	_ =	swait.ge [sflag:s17], $0x4000  }
0xaa: {  	[sflag:s17] =	ssyncset.done $0x0  }
0xab: {  	[sflag:s17] =	ssyncadd.s32 $0xFFFFC000  }
0xac: {  	_ =	swait.ge [sflag:s14], $0x4000  }
0xad: {  	[sflag:s14] =	ssyncset.done $0x0  }
0xae: {  	[sflag:s14] =	ssyncadd.s32 $0xFFFFC000  }
0xaf: {  	_ =	swait.ge [sflag:s12], $0x4000  }
0xb0: {  	[sflag:s12] =	ssyncset.done $0x0  }
0xb1: {  	[sflag:s12] =	ssyncadd.s32 $0xFFFFC000  }
0xb2: {  	_ =	swait.ge [sflag:s10], $0x4000  }
0xb3: {  	[sflag:s10] =	ssyncset.done $0x0  }
0xb4: {  	[sflag:s10] =	ssyncadd.s32 $0xFFFFC000  }
0xb5: {  	_ =	swait.ge [sflag:s8], $0x4000  }
0xb6: {  	[sflag:s8] =	ssyncset.done $0x0  }
0xb7: {  	p1 =	sne.s32 s0, $0x1;
	[sflag:s8] =	ssyncadd.s32 $0xFFFFC000  }
.Ltmp2:
0xb8: {  	_ =	swait.ge [sflag:s7], $0x4000;
	(pc) =	sbr.rel @p1 .LBB2_3-.Ltmp2, $4  }
0xb9: {  	[sflag:s7] =	ssyncset.done $0x0  }
0xba: {  	s18 =	simm.s32 $0x12;
	[sflag:s7] =	ssyncadd.s32 $0xFFFFC000  }
0xbb: {  	_ =	swait.ge [sflag:s18], $0x4000  }
0xbc: {  	s0 =	sadd.s32 $0xFFFFFFFF, s0;
	s9 =	rddreg [dreg:$0x7];
	[sflag:s18] =	ssyncset.done $0x0  }
0xbd: {  	s11 =	stileid.u32  }
.LBB2_5:
0xbe: {  	[sflag:s18] =	ssyncadd.s32 @p0 $0xFFFFC000  }
0xbf: {  	[tilespmem:s2], [sflag:$0x1] =	stream.linear.gather [hbm4b:s9+s2], $0x200, $0x38;
	[tilespmem:$0x1C400] =	vst v63  }
0xc0: {  	s0 =	rddreg [dreg:$0x8];
	s15 =	simm.s32 $0x200  }
0xc1: {  	[tilespmem:s15], [sflag:$0x2] =	stream.linear.gather [hbm4b:s0+s2], $0x200, $0x38;
	[tilespmem:$0x1C400] =	vst v63  }
0xc2: {  	_ =	swait.ge [sflag:s31], $0x200  }
0xc3: {  	[sflag:s31] =	ssyncset.done $0x0  }
0xc4: {  	[sflag:s31] =	ssyncadd.s32 $0xFFFFFE00  }
0xc5: {  	_ =	swait.ge [sflag:s30], $0x200  }
0xc6: {  	[sflag:s30] =	ssyncset.done $0x0  }
0xc7: {  	[sflag:s30] =	ssyncadd.s32 $0xFFFFFE00  }
0xc8: {  	[tilespmem:s5], [sflag:$0x3] =	stream.indirect.gather [hbm4b:s4+s21], $0x80, s2, s21, $0xb8;
	[tilespmem:$0x1C400] =	vst v63  }
0xc9: {  	s30 =	simm.s32 $0x4400  }
0xca: {  	[tilespmem:s30], [sflag:$0x4] =	stream.indirect.gather [hbm4b:s3+s21], $0x80, s15, s21, $0xb8;
	[tilespmem:$0x1C400] =	vst v63  }
0xcb: {  	s26 =	simm.s32 $0x8400  }
0xcc: {  	[tilespmem:s26], [sflag:$0x5] =	stream.indirect.gather [hbm4b:s4+s21], $0x80, s21, s21, $0xb8;
	[tilespmem:$0x1C400] =	vst v63  }
0xcd: {  	s20 =	simm.s32 $0xC400;
	s18 =	rddreg [dreg:$0x11]  }
0xce: {  	[tilespmem:s20], [sflag:$0x6] =	stream.indirect.gather [hbm4b:s3+s21], $0x80, s18, s21, $0xb8;
	[tilespmem:$0x1C400] =	vst v63  }
0xcf: {  	s31 =	rddreg [dreg:$0x12];
	s18 =	simm.s32 $0x10400  }
0xd0: {  	[tilespmem:s18], [sflag:$0x7] =	stream.indirect.gather [hbm4b:s4+s21], $0x80, s31, s21, $0xb8;
	[tilespmem:$0x1C400] =	vst v63  }
0xd1: {  	s13 =	rddreg [dreg:$0x13];
	s15 =	simm.s32 $0x14400  }
0xd2: {  	[tilespmem:s15], [sflag:$0x8] =	stream.indirect.gather [hbm4b:s3+s21], $0x80, s13, s21, $0xb8;
	[tilespmem:$0x1C400] =	vst v63  }
0xd3: {  	s31 =	rddreg [dreg:$0x14];
	s13 =	simm.s32 $0x18400  }
0xd4: {  	[tilespmem:s13], [sflag:$0x9] =	stream.indirect.gather [hbm4b:s4+s21], $0x80, s31, s21, $0xb8;
	[tilespmem:$0x1C400] =	vst v63  }
0xd5: {  	_ =	swait.ge [sflag:s1], $0x4000  }
0xd6: {  	[sflag:s1] =	ssyncset.done $0x0  }
0xd7: {  	s31 =	rddreg [dreg:$0x9];
	[sflag:s1] =	ssyncadd.s32 $0xFFFFC000  }
0xd8: {  	[hbm4b:s31+s2] =	stream.linear.scatter [tilespmem:s5], [sflag:$0xB], $0x4000, $0x38;
	[tilespmem:$0x1C400] =	vst v63  }
0xd9: {  	_ =	swait.ge [sflag:s29], $0x4000  }
0xda: {  	[sflag:s29] =	ssyncset.done $0x0  }
0xdb: {  	s4 =	rddreg [dreg:$0x15];
	[sflag:s29] =	ssyncadd.s32 $0xFFFFC000  }
0xdc: {  	[tilespmem:s5], [sflag:$0xA] =	stream.indirect.gather [hbm4b:s3+s21], $0x80, s4, s21, $0xb8;
	[tilespmem:$0x1C400] =	vst v63  }
0xdd: {  	_ =	swait.ge [sflag:s28], $0x4000  }
0xde: {  	[sflag:s28] =	ssyncset.done $0x0  }
0xdf: {  	s9 =	rddreg [dreg:$0xa];
	[sflag:s28] =	ssyncadd.s32 $0xFFFFC000  }
0xe0: {  	[hbm4b:s9+s2] =	stream.linear.scatter [tilespmem:s30], [sflag:$0xC], $0x4000, $0x38;
	[tilespmem:$0x1C400] =	vst v63  }
0xe1: {  	_ =	swait.ge [sflag:s25], $0x4000  }
0xe2: {  	[sflag:s25] =	ssyncset.done $0x0  }
0xe3: {  	s21 =	rddreg [dreg:$0xb];
	[sflag:s25] =	ssyncadd.s32 $0xFFFFC000  }
0xe4: {  	[hbm4b:s21+s2] =	stream.linear.scatter [tilespmem:s26], [sflag:$0xD], $0x4000, $0x38;
	[tilespmem:$0x1C400] =	vst v63  }
0xe5: {  	_ =	swait.ge [sflag:s24], $0x4000  }
0xe6: {  	[sflag:s24] =	ssyncset.done $0x0  }
0xe7: {  	s26 =	rddreg [dreg:$0xc];
	[sflag:s24] =	ssyncadd.s32 $0xFFFFC000  }
0xe8: {  	[hbm4b:s26+s2] =	stream.linear.scatter [tilespmem:s20], [sflag:$0xE], $0x4000, $0x38;
	[tilespmem:$0x1C400] =	vst v63  }
0xe9: {  	_ =	swait.ge [sflag:s23], $0x4000  }
0xea: {  	[sflag:s23] =	ssyncset.done $0x0  }
0xeb: {  	s28 =	rddreg [dreg:$0xd];
	[sflag:s23] =	ssyncadd.s32 $0xFFFFC000  }
0xec: {  	[hbm4b:s28+s2] =	stream.linear.scatter [tilespmem:s18], [sflag:$0xF], $0x4000, $0x38;
	[tilespmem:$0x1C400] =	vst v63  }
0xed: {  	_ =	swait.ge [sflag:s22], $0x4000  }
0xee: {  	[sflag:s22] =	ssyncset.done $0x0  }
0xef: {  	s29 =	rddreg [dreg:$0xe];
	[sflag:s22] =	ssyncadd.s32 $0xFFFFC000  }
0xf0: {  	[hbm4b:s29+s2] =	stream.linear.scatter [tilespmem:s15], [sflag:$0x10], $0x4000, $0x38;
	[tilespmem:$0x1C400] =	vst v63  }
0xf1: {  	_ =	swait.ge [sflag:s19], $0x4000  }
0xf2: {  	[sflag:s19] =	ssyncset.done $0x0  }
0xf3: {  	s30 =	rddreg [dreg:$0xf];
	[sflag:s19] =	ssyncadd.s32 $0xFFFFC000  }
0xf4: {  	[hbm4b:s30+s2] =	stream.linear.scatter [tilespmem:s13], [sflag:$0x11], $0x4000, $0x38;
	[tilespmem:$0x1C400] =	vst v63  }
0xf5: {  	_ =	swait.ge [sflag:s16], $0x4000  }
0xf6: {  	[sflag:s16] =	ssyncset.done $0x0  }
0xf7: {  	s31 =	rddreg [dreg:$0x10];
	[sflag:s16] =	ssyncadd.s32 $0xFFFFC000  }
0xf8: {  	[hbm4b:s31+s2] =	stream.linear.scatter [tilespmem:s5], [sflag:$0x12], $0x4000, $0x38;
	[tilespmem:$0x1C400] =	vst v63  }
0xf9: {  	_ =	swait.ge [sflag:s17], $0x4000  }
0xfa: {  	[sflag:s17] =	ssyncset.done $0x0  }
0xfb: {  	[sflag:s17] =	ssyncadd.s32 $0xFFFFC000  }
0xfc: {  	_ =	swait.ge [sflag:s14], $0x4000  }
0xfd: {  	[sflag:s14] =	ssyncset.done $0x0  }
0xfe: {  	[sflag:s14] =	ssyncadd.s32 $0xFFFFC000  }
0xff: {  	_ =	swait.ge [sflag:s12], $0x4000  }
0x100: {  	[sflag:s12] =	ssyncset.done $0x0  }
0x101: {  	[sflag:s12] =	ssyncadd.s32 $0xFFFFC000  }
0x102: {  	_ =	swait.ge [sflag:s10], $0x4000  }
0x103: {  	[sflag:s10] =	ssyncset.done $0x0  }
0x104: {  	[sflag:s10] =	ssyncadd.s32 $0xFFFFC000  }
0x105: {  	_ =	swait.ge [sflag:s8], $0x4000  }
0x106: {  	[sflag:s8] =	ssyncset.done $0x0  }
0x107: {  	[sflag:s8] =	ssyncadd.s32 $0xFFFFC000  }
0x108: {  	_ =	swait.ge [sflag:s7], $0x4000  }
0x109: {  	[sflag:s7] =	ssyncset.done $0x0  }
0x10a: {  	s6 =	simm.s32 $0x12;
	[sflag:s7] =	ssyncadd.s32 $0xFFFFC000  }
0x10b: {  	_ =	swait.ge [sflag:s6], $0x4000  }
0x10c: {  	[sflag:s6] =	ssyncset.done $0x0  }
0x10d: {  	[sflag:s6] =	ssyncadd.s32 $0xFFFFC000  }
0x10e: {  	_ =	sfence.sel $0x180000  }
0x10f: {  	[bflag:$0x0] =	sbarrier.arrive $0xFFFF  }
0x110: {  	_ =	strace $0x90000047  }
0x111: {  	[bflag:$0x2] =	sbarrier.arrive $0xFFFF  }
0x112: {  	p0 =	sne.s32 s11, $0x0;
	s0 =	rddreg [dreg:$0x6]  }
0x113: {  	s0 =	sadd.s32 @!p0 $0x100000, s0  }
0x114: {  	[sflag:s0] =	ssyncadd.tile.s32 @!p0 $0x1;
	_ =	shalt  }
.LBB2_6:
.Ltmp3:
0x115: {  	(pc) =	sbr.rel .LBB2_5-.Ltmp3, $2  }
0x116: {  	_ =	sdelay $0x2  }
0x117: {  	s11 =	stileid.u32  }
.Lfunc_end2:
_tile_overlayer_lowered:
.L_overlay_start_2:
0x118: {  	(tag) =	ssettag $0x2  }
0x119: {  	s0 =	rddreg [dreg:$0x0];
	s2 =	stileid.u32  }
0x11a: {  	s1 =	rddreg [dreg:$0x1];
	p0 =	sne.s32 s2, $0x0  }
0x11b: {  	s3 =	rddreg [dreg:$0x2];
	[bflag:$0x3] =	sbarrier.arrive $0xFFFF;
	s2 =	simm.s32 @!p0 $0x1C13  }
0x11c: {  	[timem:s3], [sflag:s2] =	dma.local @!p0 [hbm:s0], s1  }
0x11d: {  	s0 =	simm.s32 @!p0 $0x13  }
0x11e: {  	_ =	swait.ge @!p0 [sflag:s0], s1  }
0x11f: {  	s1 =	ssub.s32 @!p0 $0x0, s1;
	[sflag:s0] =	ssyncset.done @!p0 $0x0  }
0x120: {  	[sflag:s0] =	ssyncadd.s32 @!p0 s1  }
0x121: {  	[bflag:$0x3] =	sbarrier.arrive $0xFFFF  }
0x122: {  	_ =	shalt  }

</sc_bundles>
